<compile_context>
chip_gen: v7x
topology: tpu7x:2x2x1
jax: 0.10.2.dev20260603
libtpu: 0.0.44.dev20260713+nightly
codegen_flags: <defaults>
</compile_context>

<pallas_src>
import functools

import jax
import jax.numpy as jnp
from jax import lax
from jax.experimental import pallas as pl
from jax.experimental.pallas import tpu as pltpu
from jax.experimental.pallas import tpu_sc as plsc

_N = 100000
_D = 768
_Q = 1024
_K = 32
_C = 1024
_NN = (_N + _C - 1) // _C
_NEG = float("-inf")
_IMAX = 2**31 - 1


def _topk_body(q_ref, x_ref, ov_ref, oi_ref, s_ref, rv_ref, ri_ref, qs_ref):
    n = pl.program_id(0)

    @pl.when(n == 0)
    def _init():
        rv_ref[...] = jnp.full((_Q, _K), _NEG, jnp.float32)
        ri_ref[...] = jnp.zeros((_Q, _K), jnp.int32)
        q = q_ref[...]
        qs_ref[...] = jnp.sum(q * q, axis=1, keepdims=True)

    x = x_ref[...]
    xsq = jnp.sum(x * x, axis=1)
    m = lax.dot_general(q_ref[...], x, (((1,), (1,)), ((), ())),
                        preferred_element_type=jnp.float32)
    d2 = (qs_ref[...] + xsq[None, :]) - 2.0 * m
    col = lax.broadcasted_iota(jnp.int32, (_Q, _C), 1) + n * _C
    s = jnp.where(col < _N, -d2, _NEG)
    s_ref[...] = s

    t = jnp.min(rv_ref[...], axis=1, keepdims=True)
    c = jnp.sum((s > t).astype(jnp.int32), axis=1, keepdims=True)
    n_it = jnp.max(jnp.minimum(c, _K))

    lane = lax.broadcasted_iota(jnp.int32, (_Q, _K), 1)

    def insert(v, a):
        rv = rv_ref[...]
        ri = ri_ref[...]
        pos = jnp.sum((rv >= v).astype(jnp.int32), axis=1, keepdims=True)
        rvs = jnp.concatenate([rv[:, :1], rv[:, :_K - 1]], axis=1)
        ris = jnp.concatenate([ri[:, :1], ri[:, :_K - 1]], axis=1)
        rv_ref[...] = jnp.where(lane < pos, rv,
                                jnp.where(lane == pos, v, rvs))
        ri_ref[...] = jnp.where(lane < pos, ri,
                                jnp.where(lane == pos, a, ris))

    def body(i, carry):
        sc = s_ref[...]
        v1 = jnp.max(sc, axis=1, keepdims=True)
        a1 = jnp.min(jnp.where(sc == v1, col, _IMAX), axis=1, keepdims=True)
        sc = jnp.where(col == a1, _NEG, sc)
        v2 = jnp.max(sc, axis=1, keepdims=True)
        a2 = jnp.min(jnp.where(sc == v2, col, _IMAX), axis=1, keepdims=True)
        s_ref[...] = jnp.where(col == a2, _NEG, sc)
        insert(v1, a1)
        insert(v2, a2)
        return carry

    lax.fori_loop(0, n_it // 2, body, 0)

    @pl.when(n_it % 2 == 1)
    def _odd():
        sc = s_ref[...]
        v = jnp.max(sc, axis=1, keepdims=True)
        a = jnp.min(jnp.where(sc == v, col, _IMAX), axis=1, keepdims=True)
        s_ref[...] = jnp.where(col == a, _NEG, sc)
        insert(v, a)

    @pl.when(n == _NN - 1)
    def _out():
        ov_ref[...] = rv_ref[...]
        oi_ref[...] = ri_ref[...]


def _topk(queries, x_train):
    return pl.pallas_call(
        _topk_body,
        grid=(_NN,),
        in_specs=[
            pl.BlockSpec((_Q, _D), lambda n: (0, 0)),
            pl.BlockSpec((_C, _D), lambda n: (n, 0)),
        ],
        out_specs=[
            pl.BlockSpec((_Q, _K), lambda n: (0, 0)),
            pl.BlockSpec((_Q, _K), lambda n: (0, 0)),
        ],
        out_shape=[
            jax.ShapeDtypeStruct((_Q, _K), jnp.float32),
            jax.ShapeDtypeStruct((_Q, _K), jnp.int32),
        ],
        scratch_shapes=[
            pltpu.VMEM((_Q, _C), jnp.float32),
            pltpu.VMEM((_Q, _K), jnp.float32),
            pltpu.VMEM((_Q, _K), jnp.int32),
            pltpu.VMEM((_Q, 1), jnp.float32),
        ],
        compiler_params=pltpu.CompilerParams(
            dimension_semantics=("arbitrary",),
            vmem_limit_bytes=100 * 1024 * 1024),
    )(queries, x_train)


def _sc_gather(tables, idx_flat):
    b = idx_flat.shape[0]
    per = b // 16
    mesh = plsc.VectorSubcoreMesh(core_axis_name="c", subcore_axis_name="s")

    @functools.partial(
        pl.kernel, mesh=mesh,
        out_type=jax.ShapeDtypeStruct((2, b), jnp.int32),
        scratch_types=[
            pltpu.VMEM((_N,), jnp.int32),
            pltpu.VMEM((per,), jnp.int32),
            pltpu.VMEM((per,), jnp.int32),
        ],
        compiler_params=pltpu.CompilerParams(needs_layout_passes=False),
    )
    def k(tab_hbm, i_hbm, o_hbm, tab_v, idx_v, out_v):
        c = lax.axis_index("c")
        s = lax.axis_index("s")
        base = s * per
        pltpu.sync_copy(i_hbm.at[pl.ds(base, per)], idx_v)
        pltpu.sync_copy(tab_hbm.at[c], tab_v)

        def body(j, carry):
            iv = idx_v[pl.ds(j * 16, 16)]
            out_v[pl.ds(j * 16, 16)] = plsc.load_gather(tab_v, [iv])
            return carry

        lax.fori_loop(0, per // 16, body, 0)
        pltpu.sync_copy(out_v, o_hbm.at[c, pl.ds(base, per)])

    return k(tables, idx_flat)


_QB = 128


def _fin_body(sv_ref, kv_ref, rs_ref, qs_ref, p_ref, od_ref, os_ref):
    dist = -sv_ref[...]
    w0 = p_ref[0, 0]
    w1 = p_ref[0, 1]
    b0 = p_ref[0, 2]
    b1 = p_ref[0, 3]
    local = rs_ref[...] == qs_ref[...]
    nd = jnp.where(local, dist * w1 + b1, dist * w0 + b0)
    od_ref[...] = nd
    z = -nd
    v = kv_ref[...]
    lane = lax.broadcasted_iota(jnp.int32, (_QB, _K), 1)
    cols = []
    for j in range(_K):
        msk = lane <= j
        zj = jnp.where(msk, z, _NEG)
        mj = jnp.max(zj, axis=1, keepdims=True)
        ej = jnp.where(msk, jnp.exp(z - mj), 0.0)
        cols.append(jnp.sum(ej * v, axis=1, keepdims=True) /
                    jnp.sum(ej, axis=1, keepdims=True))
    os_ref[...] = jnp.concatenate(cols, axis=1)


def _finalize(svals, knn_vals, res_sys, qsys, params):
    return pl.pallas_call(
        _fin_body,
        grid=(_Q // _QB,),
        in_specs=[
            pl.BlockSpec((_QB, _K), lambda i: (i, 0)),
            pl.BlockSpec((_QB, _K), lambda i: (i, 0)),
            pl.BlockSpec((_QB, _K), lambda i: (i, 0)),
            pl.BlockSpec((_QB, 1), lambda i: (i, 0)),
            pl.BlockSpec(memory_space=pltpu.SMEM),
        ],
        out_specs=[
            pl.BlockSpec((_QB, _K), lambda i: (i, 0)),
            pl.BlockSpec((_QB, _K), lambda i: (i, 0)),
        ],
        out_shape=[
            jax.ShapeDtypeStruct((_Q, _K), jnp.float32),
            jax.ShapeDtypeStruct((_Q, _K), jnp.float32),
        ],
    )(svals, knn_vals, res_sys, qsys, params)


def kernel(queries, query_sys, X_train, Y_train, sys_train, W_local, b_local):
    svals, sidx = _topk(queries, X_train)
    tables = jnp.stack([lax.bitcast_convert_type(Y_train, jnp.int32),
                        sys_train.astype(jnp.int32)])
    gathered = _sc_gather(tables, sidx.reshape(-1))
    knn_vals = lax.bitcast_convert_type(gathered[0], jnp.float32).reshape(
        _Q, _K)
    res_sys = gathered[1].reshape(_Q, _K)
    qsys = query_sys.astype(jnp.int32).reshape(_Q, 1)
    params = jnp.concatenate(
        [W_local.reshape(2), b_local.reshape(2)]).reshape(1, 4)
    return _finalize(svals, knn_vals, res_sys, qsys, params)

# --- scband reference (transcript-rebuilt; emitter-appended) ---
"""Pipeline reference for scband-datastore-11123965296813 (READ-ONLY COPY).

The authoritative reference and input builder live on the scoring server;
editing this copy changes nothing except your own understanding.
"""

import jax, jax.numpy as jnp
import numpy as np

N_TRAIN = 100000   # datastore size (loaded from pickle in original; synthesized here)
D_EMB = 768        # fixed by faiss.IndexFlatL2(768)
MAX_K = 32
N_SYS = 16
Q = 1024


def setup_inputs(seed: int = 0) -> dict:
    key = jax.random.key(seed)
    k1, k2, k3, k4, k5, k6 = jax.random.split(key, 6)
    queries = jax.random.normal(k1, (Q, D_EMB), dtype=jnp.float32)
    query_sys = jax.random.randint(k2, (Q,), 0, N_SYS, dtype=jnp.int64 if jax.config.jax_enable_x64 else jnp.int32)
    X_train = jax.random.normal(k3, (N_TRAIN, D_EMB), dtype=jnp.float32)
    Y_train = jax.random.uniform(k4, (N_TRAIN,), dtype=jnp.float32)
    sys_train = jax.random.randint(k5, (N_TRAIN,), 0, N_SYS, dtype=jnp.int64 if jax.config.jax_enable_x64 else jnp.int32)
    W_local = jax.random.normal(k6, (1, 2), dtype=jnp.float32) * 0.05  # nn.Linear(1,2) weight (as [in,out])
    b_local = jnp.zeros((2,), dtype=jnp.float32)
    return {"queries": queries, "query_sys": query_sys, "X_train": X_train,
            "Y_train": Y_train, "sys_train": sys_train, "W_local": W_local, "b_local": b_local}


def reference(queries, query_sys, X_train, Y_train, sys_train, W_local, b_local):
    # faiss IndexFlatL2.search: squared-L2 distances, k nearest ascending
    q_sq = jnp.sum(queries * queries, axis=1, keepdims=True)            # [Q,1]
    x_sq = jnp.sum(X_train * X_train, axis=1)[None, :]                  # [1,N]
    dists2 = q_sq + x_sq - 2.0 * (queries @ X_train.T)                  # [Q,N]
    neg_top, I = jax.lax.top_k(-dists2, MAX_K)                          # nearest = largest negative dist
    D = -neg_top                                                        # [Q,MAX_K] ascending distances
    knn_values = Y_train[I]                                             # gather labels  [Q,MAX_K]
    res_sys = sys_train[I]                                              # gather system ids
    local_bool = res_sys == query_sys[:, None]                          # [Q,MAX_K]
    # local_layer: Linear(1,2) applied to D.unsqueeze(-1)
    loc_dis = D[..., None] @ W_local + b_local                          # [Q,MAX_K,2]
    new_D = jnp.where(local_bool, loc_dis[:, :, 1], loc_dis[:, :, 0])   # [Q,MAX_K]
    # incremental softmax-weighted scores over first i+1 neighbors
    cols = []
    for i in range(MAX_K):
        w = jax.nn.softmax(-new_D[:, :i + 1], axis=-1)
        cols.append(jnp.sum(w * knn_values[:, :i + 1], axis=-1))
    knns_scores = jnp.stack(cols, axis=1)                               # [Q,MAX_K]
    return (new_D, knns_scores)

if __name__ == "__main__":
    import jax
    _d = setup_inputs()
    print(jax.jit(kernel)(*tuple(_d.values())))

</pallas_src>

<mosaic_0001>
#map = affine_map<(d0, d1) -> (0, 0)>
#map1 = affine_map<(d0, d1) -> (0)>
module attributes {stable_mosaic.version = 14 : i64} {
  func.func @k(%arg0: i32, %arg1: i32, %arg2: memref<2x100000xi32, #tpu.memory_space<hbm>>, %arg3: memref<32768xi32, #tpu.memory_space<hbm>>, %arg4: memref<2x32768xi32, #tpu.memory_space<hbm>>, %arg5: memref<100000xi32, #tpu.memory_space<vmem>>, %arg6: memref<2048xi32, #tpu.memory_space<vmem>>, %arg7: memref<2048xi32, #tpu.memory_space<vmem>>) attributes {dimension_semantics = [#tpu.dimension_semantics<core_parallel>, #tpu.dimension_semantics<subcore_parallel>], iteration_bounds = array<i64: 2, 16>, scalar_prefetch = 0 : i64, scratch_operands = 3 : i64, tpu.core_type = #tpu.core_type<sc_vector_subcore>, window_params = [{transform_indices = #map}, {transform_indices = #map1}, {transform_indices = #map}]} {
    %mul3A = arith.constant 2048 : i32
    %mul3A_0 = arith.muli %arg1, %mul3A : i32
    "tpu.region"() ({
      %run_scoped3A = tpu.sem_alloc : memref<!tpu.dma_semaphore, #tpu.memory_space<semaphore_mem>>
      %dma_start3A = tpu.memref_slice %arg3[%mul3A_0] : memref<32768xi32, #tpu.memory_space<hbm>> -> memref<2048xi32, #tpu.memory_space<hbm>>
      %dma_start3A_6 = tpu.memref_slice %arg3[%mul3A_0] : memref<32768xi32, #tpu.memory_space<hbm>> -> memref<2048xi32, #tpu.memory_space<hbm>>
      tpu.enqueue_dma source(%dma_start3A_6 : memref<2048xi32, #tpu.memory_space<hbm>>) target(%arg6 : memref<2048xi32, #tpu.memory_space<vmem>>) target_semaphore(%run_scoped3A : memref<!tpu.dma_semaphore, #tpu.memory_space<semaphore_mem>>)
      %dma_wait3A = tpu.memref_slice %arg3[%mul3A_0] : memref<32768xi32, #tpu.memory_space<hbm>> -> memref<2048xi32, #tpu.memory_space<hbm>>
      %dma_wait3A_7 = tpu.memref_slice %arg3[%mul3A_0] : memref<32768xi32, #tpu.memory_space<hbm>> -> memref<2048xi32, #tpu.memory_space<hbm>>
      tpu.wait_dma2 semaphore(%run_scoped3A : memref<!tpu.dma_semaphore, #tpu.memory_space<semaphore_mem>>) src(%dma_wait3A_7 : memref<2048xi32, #tpu.memory_space<hbm>>) dst(%arg6 : memref<2048xi32, #tpu.memory_space<vmem>>)
      tpu.yield
    }) : () -> ()
    "tpu.region"() ({
      %run_scoped3A = tpu.sem_alloc : memref<!tpu.dma_semaphore, #tpu.memory_space<semaphore_mem>>
      %dma_start3A = arith.constant 0 : i32
      %dma_start3A_6 = tpu.memref_slice %arg2[%arg0, %dma_start3A] : memref<2x100000xi32, #tpu.memory_space<hbm>> -> memref<1x100000xi32, #tpu.memory_space<hbm>>
      %dma_start3A_7 = tpu.memref_squeeze %dma_start3A_6 : memref<1x100000xi32, #tpu.memory_space<hbm>> -> memref<100000xi32, #tpu.memory_space<hbm>>
      %dma_start3A_8 = arith.constant 0 : i32
      %dma_start3A_9 = tpu.memref_slice %arg2[%arg0, %dma_start3A_8] : memref<2x100000xi32, #tpu.memory_space<hbm>> -> memref<1x100000xi32, #tpu.memory_space<hbm>>
      %dma_start3A_10 = tpu.memref_squeeze %dma_start3A_9 : memref<1x100000xi32, #tpu.memory_space<hbm>> -> memref<100000xi32, #tpu.memory_space<hbm>>
      tpu.enqueue_dma source(%dma_start3A_10 : memref<100000xi32, #tpu.memory_space<hbm>>) target(%arg5 : memref<100000xi32, #tpu.memory_space<vmem>>) target_semaphore(%run_scoped3A : memref<!tpu.dma_semaphore, #tpu.memory_space<semaphore_mem>>)
      %dma_wait3A = arith.constant 0 : i32
      %dma_wait3A_11 = tpu.memref_slice %arg2[%arg0, %dma_wait3A] : memref<2x100000xi32, #tpu.memory_space<hbm>> -> memref<1x100000xi32, #tpu.memory_space<hbm>>
      %dma_wait3A_12 = tpu.memref_squeeze %dma_wait3A_11 : memref<1x100000xi32, #tpu.memory_space<hbm>> -> memref<100000xi32, #tpu.memory_space<hbm>>
      %dma_wait3A_13 = arith.constant 0 : i32
      %dma_wait3A_14 = tpu.memref_slice %arg2[%arg0, %dma_wait3A_13] : memref<2x100000xi32, #tpu.memory_space<hbm>> -> memref<1x100000xi32, #tpu.memory_space<hbm>>
      %dma_wait3A_15 = tpu.memref_squeeze %dma_wait3A_14 : memref<1x100000xi32, #tpu.memory_space<hbm>> -> memref<100000xi32, #tpu.memory_space<hbm>>
      tpu.wait_dma2 semaphore(%run_scoped3A : memref<!tpu.dma_semaphore, #tpu.memory_space<semaphore_mem>>) src(%dma_wait3A_15 : memref<100000xi32, #tpu.memory_space<hbm>>) dst(%arg5 : memref<100000xi32, #tpu.memory_space<vmem>>)
      tpu.yield
    }) : () -> ()
    %scan3A = arith.constant 0 : i32
    %scan3A_1 = arith.constant 0 : i32
    %scan3A_2 = arith.constant 128 : i32
    %scan3A_3 = arith.addi %scan3A_1, %scan3A_2 : i32
    %scan3A_4 = arith.constant 1 : i32
    scf.for %scan3A_6 = %scan3A_1 to %scan3A_3 step %scan3A_4  : i32 {
      %mul3A_7 = arith.constant 16 : i32
      %mul3A_8 = arith.muli %scan3A_6, %mul3A_7 : i32
      %get3A = arith.index_cast %mul3A_8 : i32 to index
      %get3A_9 = tpu.vector_load %arg6[%get3A] {strides = array<i32>} : memref<2048xi32, #tpu.memory_space<vmem>>, vector<16xi32>,
      %gather3A = tpu.vector_load_idx %arg5[%get3A_9] : memref<100000xi32, #tpu.memory_space<vmem>>[vector<16xi32>], vector<16xi32>,
      %mul3A_10 = arith.constant 16 : i32
      %mul3A_11 = arith.muli %scan3A_6, %mul3A_10 : i32
      %swap3A = arith.index_cast %mul3A_11 : i32 to index
      %swap3A_12 = tpu.vector_load %arg7[%swap3A] {strides = array<i32>} : memref<2048xi32, #tpu.memory_space<vmem>>, vector<16xi32>,
      tpu.vector_store %arg7[%swap3A], %gather3A {strides = array<i32>} : memref<2048xi32, #tpu.memory_space<vmem>>, vector<16xi32>,
    }
    %scan3A_5 = arith.constant 128 : i32
    "tpu.region"() ({
      %run_scoped3A = tpu.sem_alloc : memref<!tpu.dma_semaphore, #tpu.memory_space<semaphore_mem>>
      %dma_start3A = tpu.memref_slice %arg4[%arg0, %mul3A_0] : memref<2x32768xi32, #tpu.memory_space<hbm>> -> memref<1x2048xi32, #tpu.memory_space<hbm>>
      %dma_start3A_6 = tpu.memref_squeeze %dma_start3A : memref<1x2048xi32, #tpu.memory_space<hbm>> -> memref<2048xi32, #tpu.memory_space<hbm>>
      %dma_start3A_7 = tpu.memref_slice %arg4[%arg0, %mul3A_0] : memref<2x32768xi32, #tpu.memory_space<hbm>> -> memref<1x2048xi32, #tpu.memory_space<hbm>>
      %dma_start3A_8 = tpu.memref_squeeze %dma_start3A_7 : memref<1x2048xi32, #tpu.memory_space<hbm>> -> memref<2048xi32, #tpu.memory_space<hbm>>
      tpu.enqueue_dma source(%arg7 : memref<2048xi32, #tpu.memory_space<vmem>>) target(%dma_start3A_8 : memref<2048xi32, #tpu.memory_space<hbm>>) target_semaphore(%run_scoped3A : memref<!tpu.dma_semaphore, #tpu.memory_space<semaphore_mem>>)
      %dma_wait3A = tpu.memref_slice %arg4[%arg0, %mul3A_0] : memref<2x32768xi32, #tpu.memory_space<hbm>> -> memref<1x2048xi32, #tpu.memory_space<hbm>>
      %dma_wait3A_9 = tpu.memref_squeeze %dma_wait3A : memref<1x2048xi32, #tpu.memory_space<hbm>> -> memref<2048xi32, #tpu.memory_space<hbm>>
      %dma_wait3A_10 = tpu.memref_slice %arg4[%arg0, %mul3A_0] : memref<2x32768xi32, #tpu.memory_space<hbm>> -> memref<1x2048xi32, #tpu.memory_space<hbm>>
      %dma_wait3A_11 = tpu.memref_squeeze %dma_wait3A_10 : memref<1x2048xi32, #tpu.memory_space<hbm>> -> memref<2048xi32, #tpu.memory_space<hbm>>
      tpu.wait_dma2 semaphore(%run_scoped3A : memref<!tpu.dma_semaphore, #tpu.memory_space<semaphore_mem>>) src(%arg7 : memref<2048xi32, #tpu.memory_space<vmem>>) dst(%dma_wait3A_11 : memref<2048xi32, #tpu.memory_space<hbm>>)
      tpu.yield
    }) : () -> ()
    return
  }
}

module attributes {stable_mosaic.version = 14 : i64} {
  func.func @_topk_body(%arg0: i32, %arg1: memref<1024x768xf32, #tpu.memory_space<vmem>>, %arg2: memref<1024x768xf32, #tpu.memory_space<vmem>>, %arg3: memref<1024x32xf32, #tpu.memory_space<vmem>>, %arg4: memref<1024x32xi32, #tpu.memory_space<vmem>>, %arg5: memref<1024x1024xf32, #tpu.memory_space<vmem>>, %arg6: memref<1024x32xf32, #tpu.memory_space<vmem>>, %arg7: memref<1024x32xi32, #tpu.memory_space<vmem>>, %arg8: memref<1024x1xf32, #tpu.memory_space<vmem>>) attributes {dimension_semantics = [#tpu.dimension_semantics<arbitrary>], iteration_bounds = array<i64: 98>, scalar_prefetch = 0 : i64, scratch_operands = 4 : i64, tpu.core_type = #tpu.core_type<tc>, window_params = [{pipeline_mode = #tpu.pipeline_mode<synchronous>, transform_indices = @transform_0, window_bounds = array<i64: 1024, 768>}, {transform_indices = @transform_1, window_bounds = array<i64: 1024, 768>}, {pipeline_mode = #tpu.pipeline_mode<synchronous>, transform_indices = @transform_2, window_bounds = array<i64: 1024, 32>}, {pipeline_mode = #tpu.pipeline_mode<synchronous>, transform_indices = @transform_3, window_bounds = array<i64: 1024, 32>}]} {
    %eq3A = arith.constant 0 : i32
    %eq3A_0 = arith.cmpi eq, %arg0, %eq3A : i32
    %convert_element_type3A = arith.extui %eq3A_0 : i1 to i32
    %cond3A = arith.constant 0 : i32
    %cond3A_1 = arith.cmpi ne, %convert_element_type3A, %cond3A : i32
    scf.if %cond3A_1 {
      %broadcast_in_dim3A_99 = arith.constant 0xFF800000 : f32
      %broadcast_in_dim3A_100 = vector.broadcast %broadcast_in_dim3A_99 : f32 to vector<1024x32xf32>
      %swap3A_101 = arith.constant 0 : index
      %swap3A_102 = arith.constant 0 : index
      %swap3A_103 = vector.load %arg6[%swap3A_101, %swap3A_102] : memref<1024x32xf32, #tpu.memory_space<vmem>>, vector<1024x32xf32>
      tpu.vector_store %arg6[%swap3A_101, %swap3A_102], %broadcast_in_dim3A_100 {strides = array<i32>} : memref<1024x32xf32, #tpu.memory_space<vmem>>, vector<1024x32xf32>,
      %broadcast_in_dim3A_104 = arith.constant 0 : i32
      %broadcast_in_dim3A_105 = vector.broadcast %broadcast_in_dim3A_104 : i32 to vector<1024x32xi32>
      %swap3A_106 = arith.constant 0 : index
      %swap3A_107 = arith.constant 0 : index
      %swap3A_108 = vector.load %arg7[%swap3A_106, %swap3A_107] : memref<1024x32xi32, #tpu.memory_space<vmem>>, vector<1024x32xi32>
      tpu.vector_store %arg7[%swap3A_106, %swap3A_107], %broadcast_in_dim3A_105 {strides = array<i32>} : memref<1024x32xi32, #tpu.memory_space<vmem>>, vector<1024x32xi32>,
      %get3A_109 = arith.constant 0 : index
      %get3A_110 = arith.constant 0 : index
      %get3A_111 = vector.load %arg1[%get3A_109, %get3A_110] : memref<1024x768xf32, #tpu.memory_space<vmem>>, vector<1024x768xf32>
      %mul3A_112 = arith.mulf %get3A_111, %get3A_111 : vector<1024x768xf32>
      %reduce_sum3A_113 = arith.constant dense<0.000000e+00> : vector<1024xf32>
      %reduce_sum3A_114 = vector.multi_reduction <add>, %mul3A_112, %reduce_sum3A_113 [1] : vector<1024x768xf32> to vector<1024xf32>
      %broadcast_in_dim3A_115 = vector.shape_cast %reduce_sum3A_114 : vector<1024xf32> to vector<1024x1xf32>
      %swap3A_116 = arith.constant 0 : index
      %swap3A_117 = arith.constant 0 : index
      %swap3A_118 = vector.load %arg8[%swap3A_116, %swap3A_117] : memref<1024x1xf32, #tpu.memory_space<vmem>>, vector<1024x1xf32>
      tpu.vector_store %arg8[%swap3A_116, %swap3A_117], %broadcast_in_dim3A_115 {strides = array<i32>} : memref<1024x1xf32, #tpu.memory_space<vmem>>, vector<1024x1xf32>,
    } else {
    }
    %get3A = arith.constant 0 : index
    %get3A_2 = arith.constant 0 : index
    %get3A_3 = vector.load %arg2[%get3A, %get3A_2] : memref<1024x768xf32, #tpu.memory_space<vmem>>, vector<1024x768xf32>
    %mul3A = arith.mulf %get3A_3, %get3A_3 : vector<1024x768xf32>
    %reduce_sum3A = arith.constant dense<0.000000e+00> : vector<1024xf32>
    %reduce_sum3A_4 = vector.multi_reduction <add>, %mul3A, %reduce_sum3A [1] : vector<1024x768xf32> to vector<1024xf32>
    %get3A_5 = arith.constant 0 : index
    %get3A_6 = arith.constant 0 : index
    %get3A_7 = vector.load %arg1[%get3A_5, %get3A_6] : memref<1024x768xf32, #tpu.memory_space<vmem>>, vector<1024x768xf32>
    %dot_general3A = arith.constant dense<0.000000e+00> : vector<1024x1024xf32>
    %dot_general3A_8 = tpu.matmul %get3A_7, %get3A_3, %dot_general3A {dimension_numbers = #tpu.dot_dimension_numbers<[1], [1], [0], [0], [0, 0, 1, 0], [], []>, transpose_lhs_hint = false} : vector<1024x768xf32>, vector<1024x768xf32>, vector<1024x1024xf32> -> vector<1024x1024xf32>
    %get3A_9 = arith.constant 0 : index
    %get3A_10 = arith.constant 0 : index
    %get3A_11 = vector.load %arg8[%get3A_9, %get3A_10] : memref<1024x1xf32, #tpu.memory_space<vmem>>, vector<1024x1xf32>
    %broadcast_in_dim3A = vector.shape_cast %reduce_sum3A_4 : vector<1024xf32> to vector<1x1024xf32>
    %add3A = vector.broadcast %get3A_11 : vector<1024x1xf32> to vector<1024x1024xf32>
    %add3A_12 = vector.broadcast %broadcast_in_dim3A : vector<1x1024xf32> to vector<1024x1024xf32>
    %add3A_13 = arith.addf %add3A, %add3A_12 : vector<1024x1024xf32>
    %mul3A_14 = arith.constant 2.000000e+00 : f32
    %mul3A_15 = vector.broadcast %mul3A_14 : f32 to vector<1024x1024xf32>
    %mul3A_16 = arith.mulf %mul3A_15, %dot_general3A_8 : vector<1024x1024xf32>
    %sub3A = arith.subf %add3A_13, %mul3A_16 : vector<1024x1024xf32>
    %iota3A = tpu.iota {dimensions = array<i32: 1>} : vector<1024x1024xi32>
    %mul3A_17 = arith.constant 1024 : i32
    %mul3A_18 = arith.muli %arg0, %mul3A_17 : i32
    %add3A_19 = vector.broadcast %mul3A_18 : i32 to vector<1024x1024xi32>
    %add3A_20 = arith.addi %iota3A, %add3A_19 : vector<1024x1024xi32>
    %lt3A = arith.constant 100000 : i32
    %lt3A_21 = vector.broadcast %lt3A : i32 to vector<1024x1024xi32>
    %lt3A_22 = arith.cmpi slt, %add3A_20, %lt3A_21 : vector<1024x1024xi32>
    %neg3A = arith.constant 0.000000e+00 : f32
    %neg3A_23 = vector.broadcast %neg3A : f32 to vector<1024x1024xf32>
    %neg3A_24 = arith.subf %neg3A_23, %sub3A : vector<1024x1024xf32>
    %jit3A = arith.constant 0xFF800000 : f32
    %broadcast_in_dim3A_25 = vector.broadcast %jit3A : f32 to vector<1024x1024xf32>
    %select_n3A = arith.select %lt3A_22, %neg3A_24, %broadcast_in_dim3A_25 : vector<1024x1024xi1>, vector<1024x1024xf32>
    %swap3A = arith.constant 0 : index
    %swap3A_26 = arith.constant 0 : index
    %swap3A_27 = vector.load %arg5[%swap3A, %swap3A_26] : memref<1024x1024xf32, #tpu.memory_space<vmem>>, vector<1024x1024xf32>
    tpu.vector_store %arg5[%swap3A, %swap3A_26], %select_n3A {strides = array<i32>} : memref<1024x1024xf32, #tpu.memory_space<vmem>>, vector<1024x1024xf32>,
    %get3A_28 = arith.constant 0 : index
    %get3A_29 = arith.constant 0 : index
    %get3A_30 = vector.load %arg6[%get3A_28, %get3A_29] : memref<1024x32xf32, #tpu.memory_space<vmem>>, vector<1024x32xf32>
    %reduce_min3A = arith.constant dense<0x7F800000> : vector<1024xf32>
    %reduce_min3A_31 = vector.multi_reduction <minimumf>, %get3A_30, %reduce_min3A [1] : vector<1024x32xf32> to vector<1024xf32>
    %broadcast_in_dim3A_32 = vector.shape_cast %reduce_min3A_31 : vector<1024xf32> to vector<1024x1xf32>
    %gt3A = vector.broadcast %broadcast_in_dim3A_32 : vector<1024x1xf32> to vector<1024x1024xf32>
    %gt3A_33 = arith.cmpf ogt, %select_n3A, %gt3A : vector<1024x1024xf32>
    %convert_element_type3A_34 = arith.extui %gt3A_33 : vector<1024x1024xi1> to vector<1024x1024xi32>
    %reduce_sum3A_35 = arith.constant dense<0> : vector<1024xi32>
    %reduce_sum3A_36 = vector.multi_reduction <add>, %convert_element_type3A_34, %reduce_sum3A_35 [1] : vector<1024x1024xi32> to vector<1024xi32>
    %broadcast_in_dim3A_37 = vector.shape_cast %reduce_sum3A_36 : vector<1024xi32> to vector<1024x1xi32>
    %min3A = arith.constant 32 : i32
    %min3A_38 = vector.broadcast %min3A : i32 to vector<1024x1xi32>
    %min3A_39 = arith.minsi %broadcast_in_dim3A_37, %min3A_38 : vector<1024x1xi32>
    %reduce_max3A = vector.shape_cast %min3A_39 : vector<1024x1xi32> to vector<1x1024x1xi32>
    %reduce_max3A_40 = arith.constant dense<-2147483648> : vector<1xi32>
    %reduce_max3A_41 = vector.multi_reduction <maxsi>, %reduce_max3A, %reduce_max3A_40 [1, 2] : vector<1x1024x1xi32> to vector<1xi32>
    %reduce_max3A_42 = vector.shape_cast %reduce_max3A_41 : vector<1xi32> to vector<1x1x1xi32>
    %reduce_max3A_43 = vector.extract %reduce_max3A_42[0, 0, 0] : i32 from vector<1x1x1xi32>
    %iota3A_44 = tpu.iota {dimensions = array<i32: 1>} : vector<1024x32xi32>
    %jit3A_45 = arith.constant 2 : i32
    %div3A = arith.divsi %reduce_max3A_43, %jit3A_45 : i32
    %sign3A = arith.constant 0 : i32
    %sign3A_46 = arith.cmpi sgt, %reduce_max3A_43, %sign3A : i32
    %sign3A_47 = arith.extui %sign3A_46 : i1 to i32
    %sign3A_48 = arith.constant 0 : i32
    %sign3A_49 = arith.cmpi slt, %reduce_max3A_43, %sign3A_48 : i32
    %sign3A_50 = arith.extui %sign3A_49 : i1 to i32
    %sign3A_51 = arith.subi %sign3A_47, %sign3A_50 : i32
    %sign3A_52 = arith.constant 0 : i32
    %sign3A_53 = arith.cmpi sgt, %jit3A_45, %sign3A_52 : i32
    %sign3A_54 = arith.extui %sign3A_53 : i1 to i32
    %sign3A_55 = arith.constant 0 : i32
    %sign3A_56 = arith.cmpi slt, %jit3A_45, %sign3A_55 : i32
    %sign3A_57 = arith.extui %sign3A_56 : i1 to i32
    %sign3A_58 = arith.subi %sign3A_54, %sign3A_57 : i32
    %ne3A = arith.cmpi ne, %sign3A_51, %sign3A_58 : i32
    %rem3A = arith.remsi %reduce_max3A_43, %jit3A_45 : i32
    %ne3A_59 = arith.constant 0 : i32
    %ne3A_60 = arith.cmpi ne, %rem3A, %ne3A_59 : i32
    %and3A = arith.andi %ne3A, %ne3A_60 : i1
    %sub3A_61 = arith.constant 1 : i32
    %sub3A_62 = arith.subi %div3A, %sub3A_61 : i32
    %select_n3A_63 = arith.select %and3A, %sub3A_62, %div3A : i32
    %while3A = arith.constant 0 : i32
    %while3A_64 = arith.constant 0 : i32
    %while3A_65 = arith.subi %select_n3A_63, %while3A_64 : i32
    %while3A_66 = arith.addi %while3A_64, %while3A_65 : i32
    %while3A_67 = arith.constant 1 : i32
    %while3A_68 = arith.divsi %while3A_65, %while3A_67 : i32
    %while3A_69 = arith.muli %while3A_68, %while3A_67 : i32
    %while3A_70 = arith.addi %while3A_64, %while3A_69 : i32
    %while3A_71 = arith.constant 1 : i32
    scf.for %while3A_99 = %while3A_64 to %while3A_70 step %while3A_71  : i32 {
      %get3A_100 = arith.constant 0 : index
      %get3A_101 = arith.constant 0 : index
      %get3A_102 = vector.load %arg5[%get3A_100, %get3A_101] : memref<1024x1024xf32, #tpu.memory_space<vmem>>, vector<1024x1024xf32>
      %reduce_max3A_103 = arith.constant dense<0xFF800000> : vector<1024xf32>
      %reduce_max3A_104 = vector.multi_reduction <maximumf>, %get3A_102, %reduce_max3A_103 [1] : vector<1024x1024xf32> to vector<1024xf32>
      %broadcast_in_dim3A_105 = vector.shape_cast %reduce_max3A_104 : vector<1024xf32> to vector<1024x1xf32>
      %eq3A_106 = vector.broadcast %broadcast_in_dim3A_105 : vector<1024x1xf32> to vector<1024x1024xf32>
      %eq3A_107 = arith.cmpf oeq, %get3A_102, %eq3A_106 : vector<1024x1024xf32>
      %jit3A_108 = arith.constant 2147483647 : i32
      %broadcast_in_dim3A_109 = vector.broadcast %jit3A_108 : i32 to vector<1024x1024xi32>
      %select_n3A_110 = arith.select %eq3A_107, %add3A_20, %broadcast_in_dim3A_109 : vector<1024x1024xi1>, vector<1024x1024xi32>
      %reduce_min3A_111 = arith.constant dense<2147483647> : vector<1024xi32>
      %reduce_min3A_112 = vector.multi_reduction <minsi>, %select_n3A_110, %reduce_min3A_111 [1] : vector<1024x1024xi32> to vector<1024xi32>
      %broadcast_in_dim3A_113 = vector.shape_cast %reduce_min3A_112 : vector<1024xi32> to vector<1024x1xi32>
      %eq3A_114 = vector.broadcast %broadcast_in_dim3A_113 : vector<1024x1xi32> to vector<1024x1024xi32>
      %eq3A_115 = arith.cmpi eq, %add3A_20, %eq3A_114 : vector<1024x1024xi32>
      %jit3A_116 = arith.constant 0xFF800000 : f32
      %broadcast_in_dim3A_117 = vector.broadcast %jit3A_116 : f32 to vector<1024x1024xf32>
      %select_n3A_118 = arith.select %eq3A_115, %broadcast_in_dim3A_117, %get3A_102 : vector<1024x1024xi1>, vector<1024x1024xf32>
      %reduce_max3A_119 = arith.constant dense<0xFF800000> : vector<1024xf32>
      %reduce_max3A_120 = vector.multi_reduction <maximumf>, %select_n3A_118, %reduce_max3A_119 [1] : vector<1024x1024xf32> to vector<1024xf32>
      %broadcast_in_dim3A_121 = vector.shape_cast %reduce_max3A_120 : vector<1024xf32> to vector<1024x1xf32>
      %eq3A_122 = vector.broadcast %broadcast_in_dim3A_121 : vector<1024x1xf32> to vector<1024x1024xf32>
      %eq3A_123 = arith.cmpf oeq, %select_n3A_118, %eq3A_122 : vector<1024x1024xf32>
      %jit3A_124 = arith.constant 2147483647 : i32
      %broadcast_in_dim3A_125 = vector.broadcast %jit3A_124 : i32 to vector<1024x1024xi32>
      %select_n3A_126 = arith.select %eq3A_123, %add3A_20, %broadcast_in_dim3A_125 : vector<1024x1024xi1>, vector<1024x1024xi32>
      %reduce_min3A_127 = arith.constant dense<2147483647> : vector<1024xi32>
      %reduce_min3A_128 = vector.multi_reduction <minsi>, %select_n3A_126, %reduce_min3A_127 [1] : vector<1024x1024xi32> to vector<1024xi32>
      %broadcast_in_dim3A_129 = vector.shape_cast %reduce_min3A_128 : vector<1024xi32> to vector<1024x1xi32>
      %eq3A_130 = vector.broadcast %broadcast_in_dim3A_129 : vector<1024x1xi32> to vector<1024x1024xi32>
      %eq3A_131 = arith.cmpi eq, %add3A_20, %eq3A_130 : vector<1024x1024xi32>
      %jit3A_132 = arith.constant 0xFF800000 : f32
      %broadcast_in_dim3A_133 = vector.broadcast %jit3A_132 : f32 to vector<1024x1024xf32>
      %select_n3A_134 = arith.select %eq3A_131, %broadcast_in_dim3A_133, %select_n3A_118 : vector<1024x1024xi1>, vector<1024x1024xf32>
      %swap3A_135 = arith.constant 0 : index
      %swap3A_136 = arith.constant 0 : index
      %swap3A_137 = vector.load %arg5[%swap3A_135, %swap3A_136] : memref<1024x1024xf32, #tpu.memory_space<vmem>>, vector<1024x1024xf32>
      tpu.vector_store %arg5[%swap3A_135, %swap3A_136], %select_n3A_134 {strides = array<i32>} : memref<1024x1024xf32, #tpu.memory_space<vmem>>, vector<1024x1024xf32>,
      %get3A_138 = arith.constant 0 : index
      %get3A_139 = arith.constant 0 : index
      %get3A_140 = vector.load %arg6[%get3A_138, %get3A_139] : memref<1024x32xf32, #tpu.memory_space<vmem>>, vector<1024x32xf32>
      %get3A_141 = arith.constant 0 : index
      %get3A_142 = arith.constant 0 : index
      %get3A_143 = vector.load %arg7[%get3A_141, %get3A_142] : memref<1024x32xi32, #tpu.memory_space<vmem>>, vector<1024x32xi32>
      %ge3A = vector.broadcast %broadcast_in_dim3A_105 : vector<1024x1xf32> to vector<1024x32xf32>
      %ge3A_144 = arith.cmpf oge, %get3A_140, %ge3A : vector<1024x32xf32>
      %convert_element_type3A_145 = arith.extui %ge3A_144 : vector<1024x32xi1> to vector<1024x32xi32>
      %reduce_sum3A_146 = arith.constant dense<0> : vector<1024xi32>
      %reduce_sum3A_147 = vector.multi_reduction <add>, %convert_element_type3A_145, %reduce_sum3A_146 [1] : vector<1024x32xi32> to vector<1024xi32>
      %broadcast_in_dim3A_148 = vector.shape_cast %reduce_sum3A_147 : vector<1024xi32> to vector<1024x1xi32>
      %slice3A = vector.extract_strided_slice %get3A_140 {offsets = [0, 0], sizes = [1024, 1], strides = [1, 1]} : vector<1024x32xf32> to vector<1024x1xf32>
      %slice3A_149 = vector.extract_strided_slice %get3A_140 {offsets = [0, 0], sizes = [1024, 31], strides = [1, 1]} : vector<1024x32xf32> to vector<1024x31xf32>
      %concatenate3A = tpu.concatenate %slice3A, %slice3A_149 in 1 : vector<1024x1xf32>, vector<1024x31xf32> -> vector<1024x32xf32>
      %slice3A_150 = vector.extract_strided_slice %get3A_143 {offsets = [0, 0], sizes = [1024, 1], strides = [1, 1]} : vector<1024x32xi32> to vector<1024x1xi32>
      %slice3A_151 = vector.extract_strided_slice %get3A_143 {offsets = [0, 0], sizes = [1024, 31], strides = [1, 1]} : vector<1024x32xi32> to vector<1024x31xi32>
      %concatenate3A_152 = tpu.concatenate %slice3A_150, %slice3A_151 in 1 : vector<1024x1xi32>, vector<1024x31xi32> -> vector<1024x32xi32>
      %lt3A_153 = vector.broadcast %broadcast_in_dim3A_148 : vector<1024x1xi32> to vector<1024x32xi32>
      %lt3A_154 = arith.cmpi slt, %iota3A_44, %lt3A_153 : vector<1024x32xi32>
      %eq3A_155 = vector.broadcast %broadcast_in_dim3A_148 : vector<1024x1xi32> to vector<1024x32xi32>
      %eq3A_156 = arith.cmpi eq, %iota3A_44, %eq3A_155 : vector<1024x32xi32>
      %broadcast_in_dim3A_157 = vector.shape_cast %broadcast_in_dim3A_105 : vector<1024x1xf32> to vector<1024x1xf32>
      %broadcast_in_dim3A_158 = vector.broadcast %broadcast_in_dim3A_157 : vector<1024x1xf32> to vector<1024x32xf32>
      %select_n3A_159 = arith.select %eq3A_156, %broadcast_in_dim3A_158, %concatenate3A : vector<1024x32xi1>, vector<1024x32xf32>
      %select_n3A_160 = arith.select %lt3A_154, %get3A_140, %select_n3A_159 : vector<1024x32xi1>, vector<1024x32xf32>
      %swap3A_161 = arith.constant 0 : index
      %swap3A_162 = arith.constant 0 : index
      %swap3A_163 = vector.load %arg6[%swap3A_161, %swap3A_162] : memref<1024x32xf32, #tpu.memory_space<vmem>>, vector<1024x32xf32>
      tpu.vector_store %arg6[%swap3A_161, %swap3A_162], %select_n3A_160 {strides = array<i32>} : memref<1024x32xf32, #tpu.memory_space<vmem>>, vector<1024x32xf32>,
      %lt3A_164 = vector.broadcast %broadcast_in_dim3A_148 : vector<1024x1xi32> to vector<1024x32xi32>
      %lt3A_165 = arith.cmpi slt, %iota3A_44, %lt3A_164 : vector<1024x32xi32>
      %eq3A_166 = vector.broadcast %broadcast_in_dim3A_148 : vector<1024x1xi32> to vector<1024x32xi32>
      %eq3A_167 = arith.cmpi eq, %iota3A_44, %eq3A_166 : vector<1024x32xi32>
      %broadcast_in_dim3A_168 = vector.shape_cast %broadcast_in_dim3A_113 : vector<1024x1xi32> to vector<1024x1xi32>
      %broadcast_in_dim3A_169 = vector.broadcast %broadcast_in_dim3A_168 : vector<1024x1xi32> to vector<1024x32xi32>
      %select_n3A_170 = arith.select %eq3A_167, %broadcast_in_dim3A_169, %concatenate3A_152 : vector<1024x32xi1>, vector<1024x32xi32>
      %select_n3A_171 = arith.select %lt3A_165, %get3A_143, %select_n3A_170 : vector<1024x32xi1>, vector<1024x32xi32>
      %swap3A_172 = arith.constant 0 : index
      %swap3A_173 = arith.constant 0 : index
      %swap3A_174 = vector.load %arg7[%swap3A_172, %swap3A_173] : memref<1024x32xi32, #tpu.memory_space<vmem>>, vector<1024x32xi32>
      tpu.vector_store %arg7[%swap3A_172, %swap3A_173], %select_n3A_171 {strides = array<i32>} : memref<1024x32xi32, #tpu.memory_space<vmem>>, vector<1024x32xi32>,
      %get3A_175 = arith.constant 0 : index
      %get3A_176 = arith.constant 0 : index
      %get3A_177 = vector.load %arg6[%get3A_175, %get3A_176] : memref<1024x32xf32, #tpu.memory_space<vmem>>, vector<1024x32xf32>
      %get3A_178 = arith.constant 0 : index
      %get3A_179 = arith.constant 0 : index
      %get3A_180 = vector.load %arg7[%get3A_178, %get3A_179] : memref<1024x32xi32, #tpu.memory_space<vmem>>, vector<1024x32xi32>
      %ge3A_181 = vector.broadcast %broadcast_in_dim3A_121 : vector<1024x1xf32> to vector<1024x32xf32>
      %ge3A_182 = arith.cmpf oge, %get3A_177, %ge3A_181 : vector<1024x32xf32>
      %convert_element_type3A_183 = arith.extui %ge3A_182 : vector<1024x32xi1> to vector<1024x32xi32>
      %reduce_sum3A_184 = arith.constant dense<0> : vector<1024xi32>
      %reduce_sum3A_185 = vector.multi_reduction <add>, %convert_element_type3A_183, %reduce_sum3A_184 [1] : vector<1024x32xi32> to vector<1024xi32>
      %broadcast_in_dim3A_186 = vector.shape_cast %reduce_sum3A_185 : vector<1024xi32> to vector<1024x1xi32>
      %slice3A_187 = vector.extract_strided_slice %get3A_177 {offsets = [0, 0], sizes = [1024, 1], strides = [1, 1]} : vector<1024x32xf32> to vector<1024x1xf32>
      %slice3A_188 = vector.extract_strided_slice %get3A_177 {offsets = [0, 0], sizes = [1024, 31], strides = [1, 1]} : vector<1024x32xf32> to vector<1024x31xf32>
      %concatenate3A_189 = tpu.concatenate %slice3A_187, %slice3A_188 in 1 : vector<1024x1xf32>, vector<1024x31xf32> -> vector<1024x32xf32>
      %slice3A_190 = vector.extract_strided_slice %get3A_180 {offsets = [0, 0], sizes = [1024, 1], strides = [1, 1]} : vector<1024x32xi32> to vector<1024x1xi32>
      %slice3A_191 = vector.extract_strided_slice %get3A_180 {offsets = [0, 0], sizes = [1024, 31], strides = [1, 1]} : vector<1024x32xi32> to vector<1024x31xi32>
      %concatenate3A_192 = tpu.concatenate %slice3A_190, %slice3A_191 in 1 : vector<1024x1xi32>, vector<1024x31xi32> -> vector<1024x32xi32>
      %lt3A_193 = vector.broadcast %broadcast_in_dim3A_186 : vector<1024x1xi32> to vector<1024x32xi32>
      %lt3A_194 = arith.cmpi slt, %iota3A_44, %lt3A_193 : vector<1024x32xi32>
      %eq3A_195 = vector.broadcast %broadcast_in_dim3A_186 : vector<1024x1xi32> to vector<1024x32xi32>
      %eq3A_196 = arith.cmpi eq, %iota3A_44, %eq3A_195 : vector<1024x32xi32>
      %broadcast_in_dim3A_197 = vector.shape_cast %broadcast_in_dim3A_121 : vector<1024x1xf32> to vector<1024x1xf32>
      %broadcast_in_dim3A_198 = vector.broadcast %broadcast_in_dim3A_197 : vector<1024x1xf32> to vector<1024x32xf32>
      %select_n3A_199 = arith.select %eq3A_196, %broadcast_in_dim3A_198, %concatenate3A_189 : vector<1024x32xi1>, vector<1024x32xf32>
      %select_n3A_200 = arith.select %lt3A_194, %get3A_177, %select_n3A_199 : vector<1024x32xi1>, vector<1024x32xf32>
      %swap3A_201 = arith.constant 0 : index
      %swap3A_202 = arith.constant 0 : index
      %swap3A_203 = vector.load %arg6[%swap3A_201, %swap3A_202] : memref<1024x32xf32, #tpu.memory_space<vmem>>, vector<1024x32xf32>
      tpu.vector_store %arg6[%swap3A_201, %swap3A_202], %select_n3A_200 {strides = array<i32>} : memref<1024x32xf32, #tpu.memory_space<vmem>>, vector<1024x32xf32>,
      %lt3A_204 = vector.broadcast %broadcast_in_dim3A_186 : vector<1024x1xi32> to vector<1024x32xi32>
      %lt3A_205 = arith.cmpi slt, %iota3A_44, %lt3A_204 : vector<1024x32xi32>
      %eq3A_206 = vector.broadcast %broadcast_in_dim3A_186 : vector<1024x1xi32> to vector<1024x32xi32>
      %eq3A_207 = arith.cmpi eq, %iota3A_44, %eq3A_206 : vector<1024x32xi32>
      %broadcast_in_dim3A_208 = vector.shape_cast %broadcast_in_dim3A_129 : vector<1024x1xi32> to vector<1024x1xi32>
      %broadcast_in_dim3A_209 = vector.broadcast %broadcast_in_dim3A_208 : vector<1024x1xi32> to vector<1024x32xi32>
      %select_n3A_210 = arith.select %eq3A_207, %broadcast_in_dim3A_209, %concatenate3A_192 : vector<1024x32xi1>, vector<1024x32xi32>
      %select_n3A_211 = arith.select %lt3A_205, %get3A_180, %select_n3A_210 : vector<1024x32xi1>, vector<1024x32xi32>
      %swap3A_212 = arith.constant 0 : index
      %swap3A_213 = arith.constant 0 : index
      %swap3A_214 = vector.load %arg7[%swap3A_212, %swap3A_213] : memref<1024x32xi32, #tpu.memory_space<vmem>>, vector<1024x32xi32>
      tpu.vector_store %arg7[%swap3A_212, %swap3A_213], %select_n3A_211 {strides = array<i32>} : memref<1024x32xi32, #tpu.memory_space<vmem>>, vector<1024x32xi32>,
    }
    %while3A_72 = arith.constant 1 : i32
    scf.for %while3A_99 = %while3A_70 to %while3A_66 step %while3A_72  : i32 {
      %get3A_100 = arith.constant 0 : index
      %get3A_101 = arith.constant 0 : index
      %get3A_102 = vector.load %arg5[%get3A_100, %get3A_101] : memref<1024x1024xf32, #tpu.memory_space<vmem>>, vector<1024x1024xf32>
      %reduce_max3A_103 = arith.constant dense<0xFF800000> : vector<1024xf32>
      %reduce_max3A_104 = vector.multi_reduction <maximumf>, %get3A_102, %reduce_max3A_103 [1] : vector<1024x1024xf32> to vector<1024xf32>
      %broadcast_in_dim3A_105 = vector.shape_cast %reduce_max3A_104 : vector<1024xf32> to vector<1024x1xf32>
      %eq3A_106 = vector.broadcast %broadcast_in_dim3A_105 : vector<1024x1xf32> to vector<1024x1024xf32>
      %eq3A_107 = arith.cmpf oeq, %get3A_102, %eq3A_106 : vector<1024x1024xf32>
      %jit3A_108 = arith.constant 2147483647 : i32
      %broadcast_in_dim3A_109 = vector.broadcast %jit3A_108 : i32 to vector<1024x1024xi32>
      %select_n3A_110 = arith.select %eq3A_107, %add3A_20, %broadcast_in_dim3A_109 : vector<1024x1024xi1>, vector<1024x1024xi32>
      %reduce_min3A_111 = arith.constant dense<2147483647> : vector<1024xi32>
      %reduce_min3A_112 = vector.multi_reduction <minsi>, %select_n3A_110, %reduce_min3A_111 [1] : vector<1024x1024xi32> to vector<1024xi32>
      %broadcast_in_dim3A_113 = vector.shape_cast %reduce_min3A_112 : vector<1024xi32> to vector<1024x1xi32>
      %eq3A_114 = vector.broadcast %broadcast_in_dim3A_113 : vector<1024x1xi32> to vector<1024x1024xi32>
      %eq3A_115 = arith.cmpi eq, %add3A_20, %eq3A_114 : vector<1024x1024xi32>
      %jit3A_116 = arith.constant 0xFF800000 : f32
      %broadcast_in_dim3A_117 = vector.broadcast %jit3A_116 : f32 to vector<1024x1024xf32>
      %select_n3A_118 = arith.select %eq3A_115, %broadcast_in_dim3A_117, %get3A_102 : vector<1024x1024xi1>, vector<1024x1024xf32>
      %reduce_max3A_119 = arith.constant dense<0xFF800000> : vector<1024xf32>
      %reduce_max3A_120 = vector.multi_reduction <maximumf>, %select_n3A_118, %reduce_max3A_119 [1] : vector<1024x1024xf32> to vector<1024xf32>
      %broadcast_in_dim3A_121 = vector.shape_cast %reduce_max3A_120 : vector<1024xf32> to vector<1024x1xf32>
      %eq3A_122 = vector.broadcast %broadcast_in_dim3A_121 : vector<1024x1xf32> to vector<1024x1024xf32>
      %eq3A_123 = arith.cmpf oeq, %select_n3A_118, %eq3A_122 : vector<1024x1024xf32>
      %jit3A_124 = arith.constant 2147483647 : i32
      %broadcast_in_dim3A_125 = vector.broadcast %jit3A_124 : i32 to vector<1024x1024xi32>
      %select_n3A_126 = arith.select %eq3A_123, %add3A_20, %broadcast_in_dim3A_125 : vector<1024x1024xi1>, vector<1024x1024xi32>
      %reduce_min3A_127 = arith.constant dense<2147483647> : vector<1024xi32>
      %reduce_min3A_128 = vector.multi_reduction <minsi>, %select_n3A_126, %reduce_min3A_127 [1] : vector<1024x1024xi32> to vector<1024xi32>
      %broadcast_in_dim3A_129 = vector.shape_cast %reduce_min3A_128 : vector<1024xi32> to vector<1024x1xi32>
      %eq3A_130 = vector.broadcast %broadcast_in_dim3A_129 : vector<1024x1xi32> to vector<1024x1024xi32>
      %eq3A_131 = arith.cmpi eq, %add3A_20, %eq3A_130 : vector<1024x1024xi32>
      %jit3A_132 = arith.constant 0xFF800000 : f32
      %broadcast_in_dim3A_133 = vector.broadcast %jit3A_132 : f32 to vector<1024x1024xf32>
      %select_n3A_134 = arith.select %eq3A_131, %broadcast_in_dim3A_133, %select_n3A_118 : vector<1024x1024xi1>, vector<1024x1024xf32>
      %swap3A_135 = arith.constant 0 : index
      %swap3A_136 = arith.constant 0 : index
      %swap3A_137 = vector.load %arg5[%swap3A_135, %swap3A_136] : memref<1024x1024xf32, #tpu.memory_space<vmem>>, vector<1024x1024xf32>
      tpu.vector_store %arg5[%swap3A_135, %swap3A_136], %select_n3A_134 {strides = array<i32>} : memref<1024x1024xf32, #tpu.memory_space<vmem>>, vector<1024x1024xf32>,
      %get3A_138 = arith.constant 0 : index
      %get3A_139 = arith.constant 0 : index
      %get3A_140 = vector.load %arg6[%get3A_138, %get3A_139] : memref<1024x32xf32, #tpu.memory_space<vmem>>, vector<1024x32xf32>
      %get3A_141 = arith.constant 0 : index
      %get3A_142 = arith.constant 0 : index
      %get3A_143 = vector.load %arg7[%get3A_141, %get3A_142] : memref<1024x32xi32, #tpu.memory_space<vmem>>, vector<1024x32xi32>
      %ge3A = vector.broadcast %broadcast_in_dim3A_105 : vector<1024x1xf32> to vector<1024x32xf32>
      %ge3A_144 = arith.cmpf oge, %get3A_140, %ge3A : vector<1024x32xf32>
      %convert_element_type3A_145 = arith.extui %ge3A_144 : vector<1024x32xi1> to vector<1024x32xi32>
      %reduce_sum3A_146 = arith.constant dense<0> : vector<1024xi32>
      %reduce_sum3A_147 = vector.multi_reduction <add>, %convert_element_type3A_145, %reduce_sum3A_146 [1] : vector<1024x32xi32> to vector<1024xi32>
      %broadcast_in_dim3A_148 = vector.shape_cast %reduce_sum3A_147 : vector<1024xi32> to vector<1024x1xi32>
      %slice3A = vector.extract_strided_slice %get3A_140 {offsets = [0, 0], sizes = [1024, 1], strides = [1, 1]} : vector<1024x32xf32> to vector<1024x1xf32>
      %slice3A_149 = vector.extract_strided_slice %get3A_140 {offsets = [0, 0], sizes = [1024, 31], strides = [1, 1]} : vector<1024x32xf32> to vector<1024x31xf32>
      %concatenate3A = tpu.concatenate %slice3A, %slice3A_149 in 1 : vector<1024x1xf32>, vector<1024x31xf32> -> vector<1024x32xf32>
      %slice3A_150 = vector.extract_strided_slice %get3A_143 {offsets = [0, 0], sizes = [1024, 1], strides = [1, 1]} : vector<1024x32xi32> to vector<1024x1xi32>
      %slice3A_151 = vector.extract_strided_slice %get3A_143 {offsets = [0, 0], sizes = [1024, 31], strides = [1, 1]} : vector<1024x32xi32> to vector<1024x31xi32>
      %concatenate3A_152 = tpu.concatenate %slice3A_150, %slice3A_151 in 1 : vector<1024x1xi32>, vector<1024x31xi32> -> vector<1024x32xi32>
      %lt3A_153 = vector.broadcast %broadcast_in_dim3A_148 : vector<1024x1xi32> to vector<1024x32xi32>
      %lt3A_154 = arith.cmpi slt, %iota3A_44, %lt3A_153 : vector<1024x32xi32>
      %eq3A_155 = vector.broadcast %broadcast_in_dim3A_148 : vector<1024x1xi32> to vector<1024x32xi32>
      %eq3A_156 = arith.cmpi eq, %iota3A_44, %eq3A_155 : vector<1024x32xi32>
      %broadcast_in_dim3A_157 = vector.shape_cast %broadcast_in_dim3A_105 : vector<1024x1xf32> to vector<1024x1xf32>
      %broadcast_in_dim3A_158 = vector.broadcast %broadcast_in_dim3A_157 : vector<1024x1xf32> to vector<1024x32xf32>
      %select_n3A_159 = arith.select %eq3A_156, %broadcast_in_dim3A_158, %concatenate3A : vector<1024x32xi1>, vector<1024x32xf32>
      %select_n3A_160 = arith.select %lt3A_154, %get3A_140, %select_n3A_159 : vector<1024x32xi1>, vector<1024x32xf32>
      %swap3A_161 = arith.constant 0 : index
      %swap3A_162 = arith.constant 0 : index
      %swap3A_163 = vector.load %arg6[%swap3A_161, %swap3A_162] : memref<1024x32xf32, #tpu.memory_space<vmem>>, vector<1024x32xf32>
      tpu.vector_store %arg6[%swap3A_161, %swap3A_162], %select_n3A_160 {strides = array<i32>} : memref<1024x32xf32, #tpu.memory_space<vmem>>, vector<1024x32xf32>,
      %lt3A_164 = vector.broadcast %broadcast_in_dim3A_148 : vector<1024x1xi32> to vector<1024x32xi32>
      %lt3A_165 = arith.cmpi slt, %iota3A_44, %lt3A_164 : vector<1024x32xi32>
      %eq3A_166 = vector.broadcast %broadcast_in_dim3A_148 : vector<1024x1xi32> to vector<1024x32xi32>
      %eq3A_167 = arith.cmpi eq, %iota3A_44, %eq3A_166 : vector<1024x32xi32>
      %broadcast_in_dim3A_168 = vector.shape_cast %broadcast_in_dim3A_113 : vector<1024x1xi32> to vector<1024x1xi32>
      %broadcast_in_dim3A_169 = vector.broadcast %broadcast_in_dim3A_168 : vector<1024x1xi32> to vector<1024x32xi32>
      %select_n3A_170 = arith.select %eq3A_167, %broadcast_in_dim3A_169, %concatenate3A_152 : vector<1024x32xi1>, vector<1024x32xi32>
      %select_n3A_171 = arith.select %lt3A_165, %get3A_143, %select_n3A_170 : vector<1024x32xi1>, vector<1024x32xi32>
      %swap3A_172 = arith.constant 0 : index
      %swap3A_173 = arith.constant 0 : index
      %swap3A_174 = vector.load %arg7[%swap3A_172, %swap3A_173] : memref<1024x32xi32, #tpu.memory_space<vmem>>, vector<1024x32xi32>
      tpu.vector_store %arg7[%swap3A_172, %swap3A_173], %select_n3A_171 {strides = array<i32>} : memref<1024x32xi32, #tpu.memory_space<vmem>>, vector<1024x32xi32>,
      %get3A_175 = arith.constant 0 : index
      %get3A_176 = arith.constant 0 : index
      %get3A_177 = vector.load %arg6[%get3A_175, %get3A_176] : memref<1024x32xf32, #tpu.memory_space<vmem>>, vector<1024x32xf32>
      %get3A_178 = arith.constant 0 : index
      %get3A_179 = arith.constant 0 : index
      %get3A_180 = vector.load %arg7[%get3A_178, %get3A_179] : memref<1024x32xi32, #tpu.memory_space<vmem>>, vector<1024x32xi32>
      %ge3A_181 = vector.broadcast %broadcast_in_dim3A_121 : vector<1024x1xf32> to vector<1024x32xf32>
      %ge3A_182 = arith.cmpf oge, %get3A_177, %ge3A_181 : vector<1024x32xf32>
      %convert_element_type3A_183 = arith.extui %ge3A_182 : vector<1024x32xi1> to vector<1024x32xi32>
      %reduce_sum3A_184 = arith.constant dense<0> : vector<1024xi32>
      %reduce_sum3A_185 = vector.multi_reduction <add>, %convert_element_type3A_183, %reduce_sum3A_184 [1] : vector<1024x32xi32> to vector<1024xi32>
      %broadcast_in_dim3A_186 = vector.shape_cast %reduce_sum3A_185 : vector<1024xi32> to vector<1024x1xi32>
      %slice3A_187 = vector.extract_strided_slice %get3A_177 {offsets = [0, 0], sizes = [1024, 1], strides = [1, 1]} : vector<1024x32xf32> to vector<1024x1xf32>
      %slice3A_188 = vector.extract_strided_slice %get3A_177 {offsets = [0, 0], sizes = [1024, 31], strides = [1, 1]} : vector<1024x32xf32> to vector<1024x31xf32>
      %concatenate3A_189 = tpu.concatenate %slice3A_187, %slice3A_188 in 1 : vector<1024x1xf32>, vector<1024x31xf32> -> vector<1024x32xf32>
      %slice3A_190 = vector.extract_strided_slice %get3A_180 {offsets = [0, 0], sizes = [1024, 1], strides = [1, 1]} : vector<1024x32xi32> to vector<1024x1xi32>
      %slice3A_191 = vector.extract_strided_slice %get3A_180 {offsets = [0, 0], sizes = [1024, 31], strides = [1, 1]} : vector<1024x32xi32> to vector<1024x31xi32>
      %concatenate3A_192 = tpu.concatenate %slice3A_190, %slice3A_191 in 1 : vector<1024x1xi32>, vector<1024x31xi32> -> vector<1024x32xi32>
      %lt3A_193 = vector.broadcast %broadcast_in_dim3A_186 : vector<1024x1xi32> to vector<1024x32xi32>
      %lt3A_194 = arith.cmpi slt, %iota3A_44, %lt3A_193 : vector<1024x32xi32>
      %eq3A_195 = vector.broadcast %broadcast_in_dim3A_186 : vector<1024x1xi32> to vector<1024x32xi32>
      %eq3A_196 = arith.cmpi eq, %iota3A_44, %eq3A_195 : vector<1024x32xi32>
      %broadcast_in_dim3A_197 = vector.shape_cast %broadcast_in_dim3A_121 : vector<1024x1xf32> to vector<1024x1xf32>
      %broadcast_in_dim3A_198 = vector.broadcast %broadcast_in_dim3A_197 : vector<1024x1xf32> to vector<1024x32xf32>
      %select_n3A_199 = arith.select %eq3A_196, %broadcast_in_dim3A_198, %concatenate3A_189 : vector<1024x32xi1>, vector<1024x32xf32>
      %select_n3A_200 = arith.select %lt3A_194, %get3A_177, %select_n3A_199 : vector<1024x32xi1>, vector<1024x32xf32>
      %swap3A_201 = arith.constant 0 : index
      %swap3A_202 = arith.constant 0 : index
      %swap3A_203 = vector.load %arg6[%swap3A_201, %swap3A_202] : memref<1024x32xf32, #tpu.memory_space<vmem>>, vector<1024x32xf32>
      tpu.vector_store %arg6[%swap3A_201, %swap3A_202], %select_n3A_200 {strides = array<i32>} : memref<1024x32xf32, #tpu.memory_space<vmem>>, vector<1024x32xf32>,
      %lt3A_204 = vector.broadcast %broadcast_in_dim3A_186 : vector<1024x1xi32> to vector<1024x32xi32>
      %lt3A_205 = arith.cmpi slt, %iota3A_44, %lt3A_204 : vector<1024x32xi32>
      %eq3A_206 = vector.broadcast %broadcast_in_dim3A_186 : vector<1024x1xi32> to vector<1024x32xi32>
      %eq3A_207 = arith.cmpi eq, %iota3A_44, %eq3A_206 : vector<1024x32xi32>
      %broadcast_in_dim3A_208 = vector.shape_cast %broadcast_in_dim3A_129 : vector<1024x1xi32> to vector<1024x1xi32>
      %broadcast_in_dim3A_209 = vector.broadcast %broadcast_in_dim3A_208 : vector<1024x1xi32> to vector<1024x32xi32>
      %select_n3A_210 = arith.select %eq3A_207, %broadcast_in_dim3A_209, %concatenate3A_192 : vector<1024x32xi1>, vector<1024x32xi32>
      %select_n3A_211 = arith.select %lt3A_205, %get3A_180, %select_n3A_210 : vector<1024x32xi1>, vector<1024x32xi32>
      %swap3A_212 = arith.constant 0 : index
      %swap3A_213 = arith.constant 0 : index
      %swap3A_214 = vector.load %arg7[%swap3A_212, %swap3A_213] : memref<1024x32xi32, #tpu.memory_space<vmem>>, vector<1024x32xi32>
      tpu.vector_store %arg7[%swap3A_212, %swap3A_213], %select_n3A_211 {strides = array<i32>} : memref<1024x32xi32, #tpu.memory_space<vmem>>, vector<1024x32xi32>,
    }
    %jit3A_73 = arith.constant 2 : i32
    %eq3A_74 = arith.constant 0 : i32
    %eq3A_75 = arith.cmpi eq, %jit3A_73, %eq3A_74 : i32
    %jit3A_76 = arith.constant 1 : i32
    %select_n3A_77 = arith.select %eq3A_75, %jit3A_76, %jit3A_73 : i32
    %rem3A_78 = arith.remsi %reduce_max3A_43, %select_n3A_77 : i32
    %ne3A_79 = arith.constant 0 : i32
    %ne3A_80 = arith.cmpi ne, %rem3A_78, %ne3A_79 : i32
    %lt3A_81 = arith.constant 0 : i32
    %lt3A_82 = arith.cmpi slt, %rem3A_78, %lt3A_81 : i32
    %lt3A_83 = arith.constant 0 : i32
    %lt3A_84 = arith.cmpi slt, %select_n3A_77, %lt3A_83 : i32
    %ne3A_85 = arith.xori %lt3A_82, %lt3A_84 : i1
    %and3A_86 = arith.andi %ne3A_85, %ne3A_80 : i1
    %add3A_87 = arith.addi %rem3A_78, %select_n3A_77 : i32
    %select_n3A_88 = arith.select %and3A_86, %add3A_87, %rem3A_78 : i32
    %eq3A_89 = arith.constant 1 : i32
    %eq3A_90 = arith.cmpi eq, %select_n3A_88, %eq3A_89 : i32
    %convert_element_type3A_91 = arith.extui %eq3A_90 : i1 to i32
    %cond3A_92 = arith.constant 0 : i32
    %cond3A_93 = arith.cmpi ne, %convert_element_type3A_91, %cond3A_92 : i32
    scf.if %cond3A_93 {
      %get3A_99 = arith.constant 0 : index
      %get3A_100 = arith.constant 0 : index
      %get3A_101 = vector.load %arg5[%get3A_99, %get3A_100] : memref<1024x1024xf32, #tpu.memory_space<vmem>>, vector<1024x1024xf32>
      %reduce_max3A_102 = arith.constant dense<0xFF800000> : vector<1024xf32>
      %reduce_max3A_103 = vector.multi_reduction <maximumf>, %get3A_101, %reduce_max3A_102 [1] : vector<1024x1024xf32> to vector<1024xf32>
      %broadcast_in_dim3A_104 = vector.shape_cast %reduce_max3A_103 : vector<1024xf32> to vector<1024x1xf32>
      %eq3A_105 = vector.broadcast %broadcast_in_dim3A_104 : vector<1024x1xf32> to vector<1024x1024xf32>
      %eq3A_106 = arith.cmpf oeq, %get3A_101, %eq3A_105 : vector<1024x1024xf32>
      %jit3A_107 = arith.constant 2147483647 : i32
      %broadcast_in_dim3A_108 = vector.broadcast %jit3A_107 : i32 to vector<1024x1024xi32>
      %select_n3A_109 = arith.select %eq3A_106, %add3A_20, %broadcast_in_dim3A_108 : vector<1024x1024xi1>, vector<1024x1024xi32>
      %reduce_min3A_110 = arith.constant dense<2147483647> : vector<1024xi32>
      %reduce_min3A_111 = vector.multi_reduction <minsi>, %select_n3A_109, %reduce_min3A_110 [1] : vector<1024x1024xi32> to vector<1024xi32>
      %broadcast_in_dim3A_112 = vector.shape_cast %reduce_min3A_111 : vector<1024xi32> to vector<1024x1xi32>
      %eq3A_113 = vector.broadcast %broadcast_in_dim3A_112 : vector<1024x1xi32> to vector<1024x1024xi32>
      %eq3A_114 = arith.cmpi eq, %add3A_20, %eq3A_113 : vector<1024x1024xi32>
      %jit3A_115 = arith.constant 0xFF800000 : f32
      %broadcast_in_dim3A_116 = vector.broadcast %jit3A_115 : f32 to vector<1024x1024xf32>
      %select_n3A_117 = arith.select %eq3A_114, %broadcast_in_dim3A_116, %get3A_101 : vector<1024x1024xi1>, vector<1024x1024xf32>
      %swap3A_118 = arith.constant 0 : index
      %swap3A_119 = arith.constant 0 : index
      %swap3A_120 = vector.load %arg5[%swap3A_118, %swap3A_119] : memref<1024x1024xf32, #tpu.memory_space<vmem>>, vector<1024x1024xf32>
      tpu.vector_store %arg5[%swap3A_118, %swap3A_119], %select_n3A_117 {strides = array<i32>} : memref<1024x1024xf32, #tpu.memory_space<vmem>>, vector<1024x1024xf32>,
      %get3A_121 = arith.constant 0 : index
      %get3A_122 = arith.constant 0 : index
      %get3A_123 = vector.load %arg6[%get3A_121, %get3A_122] : memref<1024x32xf32, #tpu.memory_space<vmem>>, vector<1024x32xf32>
      %get3A_124 = arith.constant 0 : index
      %get3A_125 = arith.constant 0 : index
      %get3A_126 = vector.load %arg7[%get3A_124, %get3A_125] : memref<1024x32xi32, #tpu.memory_space<vmem>>, vector<1024x32xi32>
      %ge3A = vector.broadcast %broadcast_in_dim3A_104 : vector<1024x1xf32> to vector<1024x32xf32>
      %ge3A_127 = arith.cmpf oge, %get3A_123, %ge3A : vector<1024x32xf32>
      %convert_element_type3A_128 = arith.extui %ge3A_127 : vector<1024x32xi1> to vector<1024x32xi32>
      %reduce_sum3A_129 = arith.constant dense<0> : vector<1024xi32>
      %reduce_sum3A_130 = vector.multi_reduction <add>, %convert_element_type3A_128, %reduce_sum3A_129 [1] : vector<1024x32xi32> to vector<1024xi32>
      %broadcast_in_dim3A_131 = vector.shape_cast %reduce_sum3A_130 : vector<1024xi32> to vector<1024x1xi32>
      %slice3A = vector.extract_strided_slice %get3A_123 {offsets = [0, 0], sizes = [1024, 1], strides = [1, 1]} : vector<1024x32xf32> to vector<1024x1xf32>
      %slice3A_132 = vector.extract_strided_slice %get3A_123 {offsets = [0, 0], sizes = [1024, 31], strides = [1, 1]} : vector<1024x32xf32> to vector<1024x31xf32>
      %concatenate3A = tpu.concatenate %slice3A, %slice3A_132 in 1 : vector<1024x1xf32>, vector<1024x31xf32> -> vector<1024x32xf32>
      %slice3A_133 = vector.extract_strided_slice %get3A_126 {offsets = [0, 0], sizes = [1024, 1], strides = [1, 1]} : vector<1024x32xi32> to vector<1024x1xi32>
      %slice3A_134 = vector.extract_strided_slice %get3A_126 {offsets = [0, 0], sizes = [1024, 31], strides = [1, 1]} : vector<1024x32xi32> to vector<1024x31xi32>
      %concatenate3A_135 = tpu.concatenate %slice3A_133, %slice3A_134 in 1 : vector<1024x1xi32>, vector<1024x31xi32> -> vector<1024x32xi32>
      %lt3A_136 = vector.broadcast %broadcast_in_dim3A_131 : vector<1024x1xi32> to vector<1024x32xi32>
      %lt3A_137 = arith.cmpi slt, %iota3A_44, %lt3A_136 : vector<1024x32xi32>
      %eq3A_138 = vector.broadcast %broadcast_in_dim3A_131 : vector<1024x1xi32> to vector<1024x32xi32>
      %eq3A_139 = arith.cmpi eq, %iota3A_44, %eq3A_138 : vector<1024x32xi32>
      %broadcast_in_dim3A_140 = vector.shape_cast %broadcast_in_dim3A_104 : vector<1024x1xf32> to vector<1024x1xf32>
      %broadcast_in_dim3A_141 = vector.broadcast %broadcast_in_dim3A_140 : vector<1024x1xf32> to vector<1024x32xf32>
      %select_n3A_142 = arith.select %eq3A_139, %broadcast_in_dim3A_141, %concatenate3A : vector<1024x32xi1>, vector<1024x32xf32>
      %select_n3A_143 = arith.select %lt3A_137, %get3A_123, %select_n3A_142 : vector<1024x32xi1>, vector<1024x32xf32>
      %swap3A_144 = arith.constant 0 : index
      %swap3A_145 = arith.constant 0 : index
      %swap3A_146 = vector.load %arg6[%swap3A_144, %swap3A_145] : memref<1024x32xf32, #tpu.memory_space<vmem>>, vector<1024x32xf32>
      tpu.vector_store %arg6[%swap3A_144, %swap3A_145], %select_n3A_143 {strides = array<i32>} : memref<1024x32xf32, #tpu.memory_space<vmem>>, vector<1024x32xf32>,
      %lt3A_147 = vector.broadcast %broadcast_in_dim3A_131 : vector<1024x1xi32> to vector<1024x32xi32>
      %lt3A_148 = arith.cmpi slt, %iota3A_44, %lt3A_147 : vector<1024x32xi32>
      %eq3A_149 = vector.broadcast %broadcast_in_dim3A_131 : vector<1024x1xi32> to vector<1024x32xi32>
      %eq3A_150 = arith.cmpi eq, %iota3A_44, %eq3A_149 : vector<1024x32xi32>
      %broadcast_in_dim3A_151 = vector.shape_cast %broadcast_in_dim3A_112 : vector<1024x1xi32> to vector<1024x1xi32>
      %broadcast_in_dim3A_152 = vector.broadcast %broadcast_in_dim3A_151 : vector<1024x1xi32> to vector<1024x32xi32>
      %select_n3A_153 = arith.select %eq3A_150, %broadcast_in_dim3A_152, %concatenate3A_135 : vector<1024x32xi1>, vector<1024x32xi32>
      %select_n3A_154 = arith.select %lt3A_148, %get3A_126, %select_n3A_153 : vector<1024x32xi1>, vector<1024x32xi32>
      %swap3A_155 = arith.constant 0 : index
      %swap3A_156 = arith.constant 0 : index
      %swap3A_157 = vector.load %arg7[%swap3A_155, %swap3A_156] : memref<1024x32xi32, #tpu.memory_space<vmem>>, vector<1024x32xi32>
      tpu.vector_store %arg7[%swap3A_155, %swap3A_156], %select_n3A_154 {strides = array<i32>} : memref<1024x32xi32, #tpu.memory_space<vmem>>, vector<1024x32xi32>,
    } else {
    }
    %eq3A_94 = arith.constant 97 : i32
    %eq3A_95 = arith.cmpi eq, %arg0, %eq3A_94 : i32
    %convert_element_type3A_96 = arith.extui %eq3A_95 : i1 to i32
    %cond3A_97 = arith.constant 0 : i32
    %cond3A_98 = arith.cmpi ne, %convert_element_type3A_96, %cond3A_97 : i32
    scf.if %cond3A_98 {
      %get3A_99 = arith.constant 0 : index
      %get3A_100 = arith.constant 0 : index
      %get3A_101 = vector.load %arg6[%get3A_99, %get3A_100] : memref<1024x32xf32, #tpu.memory_space<vmem>>, vector<1024x32xf32>
      %swap3A_102 = arith.constant 0 : index
      %swap3A_103 = arith.constant 0 : index
      %swap3A_104 = vector.load %arg3[%swap3A_102, %swap3A_103] : memref<1024x32xf32, #tpu.memory_space<vmem>>, vector<1024x32xf32>
      tpu.vector_store %arg3[%swap3A_102, %swap3A_103], %get3A_101 {strides = array<i32>} : memref<1024x32xf32, #tpu.memory_space<vmem>>, vector<1024x32xf32>,
      %get3A_105 = arith.constant 0 : index
      %get3A_106 = arith.constant 0 : index
      %get3A_107 = vector.load %arg7[%get3A_105, %get3A_106] : memref<1024x32xi32, #tpu.memory_space<vmem>>, vector<1024x32xi32>
      %swap3A_108 = arith.constant 0 : index
      %swap3A_109 = arith.constant 0 : index
      %swap3A_110 = vector.load %arg4[%swap3A_108, %swap3A_109] : memref<1024x32xi32, #tpu.memory_space<vmem>>, vector<1024x32xi32>
      tpu.vector_store %arg4[%swap3A_108, %swap3A_109], %get3A_107 {strides = array<i32>} : memref<1024x32xi32, #tpu.memory_space<vmem>>, vector<1024x32xi32>,
    } else {
    }
    return
  }
  func.func @transform_0(%arg0: i32) -> (i32, i32) {
    %c0_i32 = arith.constant 0 : i32
    %c0_i32_0 = arith.constant 0 : i32
    %c0_i32_1 = arith.constant 0 : i32
    return %c0_i32, %c0_i32_0 : i32, i32
  }
  func.func @transform_1(%arg0: i32) -> (i32, i32) {
    %c0_i32 = arith.constant 0 : i32
    %c0_i32_0 = arith.constant 0 : i32
    return %arg0, %c0_i32 : i32, i32
  }
  func.func @transform_2(%arg0: i32) -> (i32, i32) {
    %c0_i32 = arith.constant 0 : i32
    %c0_i32_0 = arith.constant 0 : i32
    %c0_i32_1 = arith.constant 0 : i32
    return %c0_i32, %c0_i32_0 : i32, i32
  }
  func.func @transform_3(%arg0: i32) -> (i32, i32) {
    %c0_i32 = arith.constant 0 : i32
    %c0_i32_0 = arith.constant 0 : i32
    %c0_i32_1 = arith.constant 0 : i32
    return %c0_i32, %c0_i32_0 : i32, i32
  }
}

module attributes {stable_mosaic.version = 14 : i64} {
  func.func @_fin_body(%arg0: i32, %arg1: memref<128x32xf32, #tpu.memory_space<vmem>>, %arg2: memref<128x32xf32, #tpu.memory_space<vmem>>, %arg3: memref<128x32xi32, #tpu.memory_space<vmem>>, %arg4: memref<128x1xi32, #tpu.memory_space<vmem>>, %arg5: memref<1x4xf32, #tpu.memory_space<smem>>, %arg6: memref<128x32xf32, #tpu.memory_space<vmem>>, %arg7: memref<128x32xf32, #tpu.memory_space<vmem>>) attributes {dimension_semantics = [#tpu.dimension_semantics<arbitrary>], iteration_bounds = array<i64: 8>, scalar_prefetch = 0 : i64, scratch_operands = 0 : i64, tpu.core_type = #tpu.core_type<tc>, window_params = [{transform_indices = @transform_0, window_bounds = array<i64: 128, 32>}, {transform_indices = @transform_1, window_bounds = array<i64: 128, 32>}, {transform_indices = @transform_2, window_bounds = array<i64: 128, 32>}, {transform_indices = @transform_3, window_bounds = array<i64: 128, 1>}, {transform_indices = @transform_4, window_bounds = array<i64: 1, 4>}, {transform_indices = @transform_5, window_bounds = array<i64: 128, 32>}, {transform_indices = @transform_6, window_bounds = array<i64: 128, 32>}]} {
    %get3A = arith.constant 0 : index
    %get3A_0 = arith.constant 0 : index
    %get3A_1 = vector.load %arg1[%get3A, %get3A_0] : memref<128x32xf32, #tpu.memory_space<vmem>>, vector<128x32xf32>
    %neg3A = arith.constant 0.000000e+00 : f32
    %neg3A_2 = vector.broadcast %neg3A : f32 to vector<128x32xf32>
    %neg3A_3 = arith.subf %neg3A_2, %get3A_1 : vector<128x32xf32>
    %get3A_4 = arith.constant 0 : index
    %get3A_5 = arith.constant 0 : index
    %get3A_6 = memref.load %arg5[%get3A_4, %get3A_5] : memref<1x4xf32, #tpu.memory_space<smem>>
    %get3A_7 = arith.constant 0 : index
    %get3A_8 = arith.constant 1 : index
    %get3A_9 = memref.load %arg5[%get3A_7, %get3A_8] : memref<1x4xf32, #tpu.memory_space<smem>>
    %get3A_10 = arith.constant 0 : index
    %get3A_11 = arith.constant 2 : index
    %get3A_12 = memref.load %arg5[%get3A_10, %get3A_11] : memref<1x4xf32, #tpu.memory_space<smem>>
    %get3A_13 = arith.constant 0 : index
    %get3A_14 = arith.constant 3 : index
    %get3A_15 = memref.load %arg5[%get3A_13, %get3A_14] : memref<1x4xf32, #tpu.memory_space<smem>>
    %get3A_16 = arith.constant 0 : index
    %get3A_17 = arith.constant 0 : index
    %get3A_18 = vector.load %arg3[%get3A_16, %get3A_17] : memref<128x32xi32, #tpu.memory_space<vmem>>, vector<128x32xi32>
    %get3A_19 = arith.constant 0 : index
    %get3A_20 = arith.constant 0 : index
    %get3A_21 = vector.load %arg4[%get3A_19, %get3A_20] : memref<128x1xi32, #tpu.memory_space<vmem>>, vector<128x1xi32>
    %eq3A = vector.broadcast %get3A_21 : vector<128x1xi32> to vector<128x32xi32>
    %eq3A_22 = arith.cmpi eq, %get3A_18, %eq3A : vector<128x32xi32>
    %mul3A = vector.broadcast %get3A_9 : f32 to vector<128x32xf32>
    %mul3A_23 = arith.mulf %neg3A_3, %mul3A : vector<128x32xf32>
    %add3A = vector.broadcast %get3A_15 : f32 to vector<128x32xf32>
    %add3A_24 = arith.addf %mul3A_23, %add3A : vector<128x32xf32>
    %mul3A_25 = vector.broadcast %get3A_6 : f32 to vector<128x32xf32>
    %mul3A_26 = arith.mulf %neg3A_3, %mul3A_25 : vector<128x32xf32>
    %add3A_27 = vector.broadcast %get3A_12 : f32 to vector<128x32xf32>
    %add3A_28 = arith.addf %mul3A_26, %add3A_27 : vector<128x32xf32>
    %select_n3A = arith.select %eq3A_22, %add3A_24, %add3A_28 : vector<128x32xi1>, vector<128x32xf32>
    %swap3A = arith.constant 0 : index
    %swap3A_29 = arith.constant 0 : index
    %swap3A_30 = vector.load %arg6[%swap3A, %swap3A_29] : memref<128x32xf32, #tpu.memory_space<vmem>>, vector<128x32xf32>
    tpu.vector_store %arg6[%swap3A, %swap3A_29], %select_n3A {strides = array<i32>} : memref<128x32xf32, #tpu.memory_space<vmem>>, vector<128x32xf32>,
    %neg3A_31 = arith.constant 0.000000e+00 : f32
    %neg3A_32 = vector.broadcast %neg3A_31 : f32 to vector<128x32xf32>
    %neg3A_33 = arith.subf %neg3A_32, %select_n3A : vector<128x32xf32>
    %get3A_34 = arith.constant 0 : index
    %get3A_35 = arith.constant 0 : index
    %get3A_36 = vector.load %arg2[%get3A_34, %get3A_35] : memref<128x32xf32, #tpu.memory_space<vmem>>, vector<128x32xf32>
    %iota3A = tpu.iota {dimensions = array<i32: 1>} : vector<128x32xi32>
    %le3A = arith.constant 0 : i32
    %le3A_37 = vector.broadcast %le3A : i32 to vector<128x32xi32>
    %le3A_38 = arith.cmpi sle, %iota3A, %le3A_37 : vector<128x32xi32>
    %jit3A = arith.constant 0xFF800000 : f32
    %broadcast_in_dim3A = vector.broadcast %jit3A : f32 to vector<128x32xf32>
    %select_n3A_39 = arith.select %le3A_38, %neg3A_33, %broadcast_in_dim3A : vector<128x32xi1>, vector<128x32xf32>
    %reduce_max3A = arith.constant dense<0xFF800000> : vector<128xf32>
    %reduce_max3A_40 = vector.multi_reduction <maximumf>, %select_n3A_39, %reduce_max3A [1] : vector<128x32xf32> to vector<128xf32>
    %broadcast_in_dim3A_41 = vector.shape_cast %reduce_max3A_40 : vector<128xf32> to vector<128x1xf32>
    %sub3A = vector.broadcast %broadcast_in_dim3A_41 : vector<128x1xf32> to vector<128x32xf32>
    %sub3A_42 = arith.subf %neg3A_33, %sub3A : vector<128x32xf32>
    %exp3A = math.exp %sub3A_42 : vector<128x32xf32>
    %jit3A_43 = arith.constant 0.000000e+00 : f32
    %broadcast_in_dim3A_44 = vector.broadcast %jit3A_43 : f32 to vector<128x32xf32>
    %select_n3A_45 = arith.select %le3A_38, %exp3A, %broadcast_in_dim3A_44 : vector<128x32xi1>, vector<128x32xf32>
    %mul3A_46 = arith.mulf %select_n3A_45, %get3A_36 : vector<128x32xf32>
    %reduce_sum3A = arith.constant dense<0.000000e+00> : vector<128xf32>
    %reduce_sum3A_47 = vector.multi_reduction <add>, %mul3A_46, %reduce_sum3A [1] : vector<128x32xf32> to vector<128xf32>
    %broadcast_in_dim3A_48 = vector.shape_cast %reduce_sum3A_47 : vector<128xf32> to vector<128x1xf32>
    %reduce_sum3A_49 = arith.constant dense<0.000000e+00> : vector<128xf32>
    %reduce_sum3A_50 = vector.multi_reduction <add>, %select_n3A_45, %reduce_sum3A_49 [1] : vector<128x32xf32> to vector<128xf32>
    %broadcast_in_dim3A_51 = vector.shape_cast %reduce_sum3A_50 : vector<128xf32> to vector<128x1xf32>
    %div3A = arith.divf %broadcast_in_dim3A_48, %broadcast_in_dim3A_51 : vector<128x1xf32>
    %le3A_52 = arith.constant 1 : i32
    %le3A_53 = vector.broadcast %le3A_52 : i32 to vector<128x32xi32>
    %le3A_54 = arith.cmpi sle, %iota3A, %le3A_53 : vector<128x32xi32>
    %jit3A_55 = arith.constant 0xFF800000 : f32
    %broadcast_in_dim3A_56 = vector.broadcast %jit3A_55 : f32 to vector<128x32xf32>
    %select_n3A_57 = arith.select %le3A_54, %neg3A_33, %broadcast_in_dim3A_56 : vector<128x32xi1>, vector<128x32xf32>
    %reduce_max3A_58 = arith.constant dense<0xFF800000> : vector<128xf32>
    %reduce_max3A_59 = vector.multi_reduction <maximumf>, %select_n3A_57, %reduce_max3A_58 [1] : vector<128x32xf32> to vector<128xf32>
    %broadcast_in_dim3A_60 = vector.shape_cast %reduce_max3A_59 : vector<128xf32> to vector<128x1xf32>
    %sub3A_61 = vector.broadcast %broadcast_in_dim3A_60 : vector<128x1xf32> to vector<128x32xf32>
    %sub3A_62 = arith.subf %neg3A_33, %sub3A_61 : vector<128x32xf32>
    %exp3A_63 = math.exp %sub3A_62 : vector<128x32xf32>
    %jit3A_64 = arith.constant 0.000000e+00 : f32
    %broadcast_in_dim3A_65 = vector.broadcast %jit3A_64 : f32 to vector<128x32xf32>
    %select_n3A_66 = arith.select %le3A_54, %exp3A_63, %broadcast_in_dim3A_65 : vector<128x32xi1>, vector<128x32xf32>
    %mul3A_67 = arith.mulf %select_n3A_66, %get3A_36 : vector<128x32xf32>
    %reduce_sum3A_68 = arith.constant dense<0.000000e+00> : vector<128xf32>
    %reduce_sum3A_69 = vector.multi_reduction <add>, %mul3A_67, %reduce_sum3A_68 [1] : vector<128x32xf32> to vector<128xf32>
    %broadcast_in_dim3A_70 = vector.shape_cast %reduce_sum3A_69 : vector<128xf32> to vector<128x1xf32>
    %reduce_sum3A_71 = arith.constant dense<0.000000e+00> : vector<128xf32>
    %reduce_sum3A_72 = vector.multi_reduction <add>, %select_n3A_66, %reduce_sum3A_71 [1] : vector<128x32xf32> to vector<128xf32>
    %broadcast_in_dim3A_73 = vector.shape_cast %reduce_sum3A_72 : vector<128xf32> to vector<128x1xf32>
    %div3A_74 = arith.divf %broadcast_in_dim3A_70, %broadcast_in_dim3A_73 : vector<128x1xf32>
    %le3A_75 = arith.constant 2 : i32
    %le3A_76 = vector.broadcast %le3A_75 : i32 to vector<128x32xi32>
    %le3A_77 = arith.cmpi sle, %iota3A, %le3A_76 : vector<128x32xi32>
    %jit3A_78 = arith.constant 0xFF800000 : f32
    %broadcast_in_dim3A_79 = vector.broadcast %jit3A_78 : f32 to vector<128x32xf32>
    %select_n3A_80 = arith.select %le3A_77, %neg3A_33, %broadcast_in_dim3A_79 : vector<128x32xi1>, vector<128x32xf32>
    %reduce_max3A_81 = arith.constant dense<0xFF800000> : vector<128xf32>
    %reduce_max3A_82 = vector.multi_reduction <maximumf>, %select_n3A_80, %reduce_max3A_81 [1] : vector<128x32xf32> to vector<128xf32>
    %broadcast_in_dim3A_83 = vector.shape_cast %reduce_max3A_82 : vector<128xf32> to vector<128x1xf32>
    %sub3A_84 = vector.broadcast %broadcast_in_dim3A_83 : vector<128x1xf32> to vector<128x32xf32>
    %sub3A_85 = arith.subf %neg3A_33, %sub3A_84 : vector<128x32xf32>
    %exp3A_86 = math.exp %sub3A_85 : vector<128x32xf32>
    %jit3A_87 = arith.constant 0.000000e+00 : f32
    %broadcast_in_dim3A_88 = vector.broadcast %jit3A_87 : f32 to vector<128x32xf32>
    %select_n3A_89 = arith.select %le3A_77, %exp3A_86, %broadcast_in_dim3A_88 : vector<128x32xi1>, vector<128x32xf32>
    %mul3A_90 = arith.mulf %select_n3A_89, %get3A_36 : vector<128x32xf32>
    %reduce_sum3A_91 = arith.constant dense<0.000000e+00> : vector<128xf32>
    %reduce_sum3A_92 = vector.multi_reduction <add>, %mul3A_90, %reduce_sum3A_91 [1] : vector<128x32xf32> to vector<128xf32>
    %broadcast_in_dim3A_93 = vector.shape_cast %reduce_sum3A_92 : vector<128xf32> to vector<128x1xf32>
    %reduce_sum3A_94 = arith.constant dense<0.000000e+00> : vector<128xf32>
    %reduce_sum3A_95 = vector.multi_reduction <add>, %select_n3A_89, %reduce_sum3A_94 [1] : vector<128x32xf32> to vector<128xf32>
    %broadcast_in_dim3A_96 = vector.shape_cast %reduce_sum3A_95 : vector<128xf32> to vector<128x1xf32>
    %div3A_97 = arith.divf %broadcast_in_dim3A_93, %broadcast_in_dim3A_96 : vector<128x1xf32>
    %le3A_98 = arith.constant 3 : i32
    %le3A_99 = vector.broadcast %le3A_98 : i32 to vector<128x32xi32>
    %le3A_100 = arith.cmpi sle, %iota3A, %le3A_99 : vector<128x32xi32>
    %jit3A_101 = arith.constant 0xFF800000 : f32
    %broadcast_in_dim3A_102 = vector.broadcast %jit3A_101 : f32 to vector<128x32xf32>
    %select_n3A_103 = arith.select %le3A_100, %neg3A_33, %broadcast_in_dim3A_102 : vector<128x32xi1>, vector<128x32xf32>
    %reduce_max3A_104 = arith.constant dense<0xFF800000> : vector<128xf32>
    %reduce_max3A_105 = vector.multi_reduction <maximumf>, %select_n3A_103, %reduce_max3A_104 [1] : vector<128x32xf32> to vector<128xf32>
    %broadcast_in_dim3A_106 = vector.shape_cast %reduce_max3A_105 : vector<128xf32> to vector<128x1xf32>
    %sub3A_107 = vector.broadcast %broadcast_in_dim3A_106 : vector<128x1xf32> to vector<128x32xf32>
    %sub3A_108 = arith.subf %neg3A_33, %sub3A_107 : vector<128x32xf32>
    %exp3A_109 = math.exp %sub3A_108 : vector<128x32xf32>
    %jit3A_110 = arith.constant 0.000000e+00 : f32
    %broadcast_in_dim3A_111 = vector.broadcast %jit3A_110 : f32 to vector<128x32xf32>
    %select_n3A_112 = arith.select %le3A_100, %exp3A_109, %broadcast_in_dim3A_111 : vector<128x32xi1>, vector<128x32xf32>
    %mul3A_113 = arith.mulf %select_n3A_112, %get3A_36 : vector<128x32xf32>
    %reduce_sum3A_114 = arith.constant dense<0.000000e+00> : vector<128xf32>
    %reduce_sum3A_115 = vector.multi_reduction <add>, %mul3A_113, %reduce_sum3A_114 [1] : vector<128x32xf32> to vector<128xf32>
    %broadcast_in_dim3A_116 = vector.shape_cast %reduce_sum3A_115 : vector<128xf32> to vector<128x1xf32>
    %reduce_sum3A_117 = arith.constant dense<0.000000e+00> : vector<128xf32>
    %reduce_sum3A_118 = vector.multi_reduction <add>, %select_n3A_112, %reduce_sum3A_117 [1] : vector<128x32xf32> to vector<128xf32>
    %broadcast_in_dim3A_119 = vector.shape_cast %reduce_sum3A_118 : vector<128xf32> to vector<128x1xf32>
    %div3A_120 = arith.divf %broadcast_in_dim3A_116, %broadcast_in_dim3A_119 : vector<128x1xf32>
    %le3A_121 = arith.constant 4 : i32
    %le3A_122 = vector.broadcast %le3A_121 : i32 to vector<128x32xi32>
    %le3A_123 = arith.cmpi sle, %iota3A, %le3A_122 : vector<128x32xi32>
    %jit3A_124 = arith.constant 0xFF800000 : f32
    %broadcast_in_dim3A_125 = vector.broadcast %jit3A_124 : f32 to vector<128x32xf32>
    %select_n3A_126 = arith.select %le3A_123, %neg3A_33, %broadcast_in_dim3A_125 : vector<128x32xi1>, vector<128x32xf32>
    %reduce_max3A_127 = arith.constant dense<0xFF800000> : vector<128xf32>
    %reduce_max3A_128 = vector.multi_reduction <maximumf>, %select_n3A_126, %reduce_max3A_127 [1] : vector<128x32xf32> to vector<128xf32>
    %broadcast_in_dim3A_129 = vector.shape_cast %reduce_max3A_128 : vector<128xf32> to vector<128x1xf32>
    %sub3A_130 = vector.broadcast %broadcast_in_dim3A_129 : vector<128x1xf32> to vector<128x32xf32>
    %sub3A_131 = arith.subf %neg3A_33, %sub3A_130 : vector<128x32xf32>
    %exp3A_132 = math.exp %sub3A_131 : vector<128x32xf32>
    %jit3A_133 = arith.constant 0.000000e+00 : f32
    %broadcast_in_dim3A_134 = vector.broadcast %jit3A_133 : f32 to vector<128x32xf32>
    %select_n3A_135 = arith.select %le3A_123, %exp3A_132, %broadcast_in_dim3A_134 : vector<128x32xi1>, vector<128x32xf32>
    %mul3A_136 = arith.mulf %select_n3A_135, %get3A_36 : vector<128x32xf32>
    %reduce_sum3A_137 = arith.constant dense<0.000000e+00> : vector<128xf32>
    %reduce_sum3A_138 = vector.multi_reduction <add>, %mul3A_136, %reduce_sum3A_137 [1] : vector<128x32xf32> to vector<128xf32>
    %broadcast_in_dim3A_139 = vector.shape_cast %reduce_sum3A_138 : vector<128xf32> to vector<128x1xf32>
    %reduce_sum3A_140 = arith.constant dense<0.000000e+00> : vector<128xf32>
    %reduce_sum3A_141 = vector.multi_reduction <add>, %select_n3A_135, %reduce_sum3A_140 [1] : vector<128x32xf32> to vector<128xf32>
    %broadcast_in_dim3A_142 = vector.shape_cast %reduce_sum3A_141 : vector<128xf32> to vector<128x1xf32>
    %div3A_143 = arith.divf %broadcast_in_dim3A_139, %broadcast_in_dim3A_142 : vector<128x1xf32>
    %le3A_144 = arith.constant 5 : i32
    %le3A_145 = vector.broadcast %le3A_144 : i32 to vector<128x32xi32>
    %le3A_146 = arith.cmpi sle, %iota3A, %le3A_145 : vector<128x32xi32>
    %jit3A_147 = arith.constant 0xFF800000 : f32
    %broadcast_in_dim3A_148 = vector.broadcast %jit3A_147 : f32 to vector<128x32xf32>
    %select_n3A_149 = arith.select %le3A_146, %neg3A_33, %broadcast_in_dim3A_148 : vector<128x32xi1>, vector<128x32xf32>
    %reduce_max3A_150 = arith.constant dense<0xFF800000> : vector<128xf32>
    %reduce_max3A_151 = vector.multi_reduction <maximumf>, %select_n3A_149, %reduce_max3A_150 [1] : vector<128x32xf32> to vector<128xf32>
    %broadcast_in_dim3A_152 = vector.shape_cast %reduce_max3A_151 : vector<128xf32> to vector<128x1xf32>
    %sub3A_153 = vector.broadcast %broadcast_in_dim3A_152 : vector<128x1xf32> to vector<128x32xf32>
    %sub3A_154 = arith.subf %neg3A_33, %sub3A_153 : vector<128x32xf32>
    %exp3A_155 = math.exp %sub3A_154 : vector<128x32xf32>
    %jit3A_156 = arith.constant 0.000000e+00 : f32
    %broadcast_in_dim3A_157 = vector.broadcast %jit3A_156 : f32 to vector<128x32xf32>
    %select_n3A_158 = arith.select %le3A_146, %exp3A_155, %broadcast_in_dim3A_157 : vector<128x32xi1>, vector<128x32xf32>
    %mul3A_159 = arith.mulf %select_n3A_158, %get3A_36 : vector<128x32xf32>
    %reduce_sum3A_160 = arith.constant dense<0.000000e+00> : vector<128xf32>
    %reduce_sum3A_161 = vector.multi_reduction <add>, %mul3A_159, %reduce_sum3A_160 [1] : vector<128x32xf32> to vector<128xf32>
    %broadcast_in_dim3A_162 = vector.shape_cast %reduce_sum3A_161 : vector<128xf32> to vector<128x1xf32>
    %reduce_sum3A_163 = arith.constant dense<0.000000e+00> : vector<128xf32>
    %reduce_sum3A_164 = vector.multi_reduction <add>, %select_n3A_158, %reduce_sum3A_163 [1] : vector<128x32xf32> to vector<128xf32>
    %broadcast_in_dim3A_165 = vector.shape_cast %reduce_sum3A_164 : vector<128xf32> to vector<128x1xf32>
    %div3A_166 = arith.divf %broadcast_in_dim3A_162, %broadcast_in_dim3A_165 : vector<128x1xf32>
    %le3A_167 = arith.constant 6 : i32
    %le3A_168 = vector.broadcast %le3A_167 : i32 to vector<128x32xi32>
    %le3A_169 = arith.cmpi sle, %iota3A, %le3A_168 : vector<128x32xi32>
    %jit3A_170 = arith.constant 0xFF800000 : f32
    %broadcast_in_dim3A_171 = vector.broadcast %jit3A_170 : f32 to vector<128x32xf32>
    %select_n3A_172 = arith.select %le3A_169, %neg3A_33, %broadcast_in_dim3A_171 : vector<128x32xi1>, vector<128x32xf32>
    %reduce_max3A_173 = arith.constant dense<0xFF800000> : vector<128xf32>
    %reduce_max3A_174 = vector.multi_reduction <maximumf>, %select_n3A_172, %reduce_max3A_173 [1] : vector<128x32xf32> to vector<128xf32>
    %broadcast_in_dim3A_175 = vector.shape_cast %reduce_max3A_174 : vector<128xf32> to vector<128x1xf32>
    %sub3A_176 = vector.broadcast %broadcast_in_dim3A_175 : vector<128x1xf32> to vector<128x32xf32>
    %sub3A_177 = arith.subf %neg3A_33, %sub3A_176 : vector<128x32xf32>
    %exp3A_178 = math.exp %sub3A_177 : vector<128x32xf32>
    %jit3A_179 = arith.constant 0.000000e+00 : f32
    %broadcast_in_dim3A_180 = vector.broadcast %jit3A_179 : f32 to vector<128x32xf32>
    %select_n3A_181 = arith.select %le3A_169, %exp3A_178, %broadcast_in_dim3A_180 : vector<128x32xi1>, vector<128x32xf32>
    %mul3A_182 = arith.mulf %select_n3A_181, %get3A_36 : vector<128x32xf32>
    %reduce_sum3A_183 = arith.constant dense<0.000000e+00> : vector<128xf32>
    %reduce_sum3A_184 = vector.multi_reduction <add>, %mul3A_182, %reduce_sum3A_183 [1] : vector<128x32xf32> to vector<128xf32>
    %broadcast_in_dim3A_185 = vector.shape_cast %reduce_sum3A_184 : vector<128xf32> to vector<128x1xf32>
    %reduce_sum3A_186 = arith.constant dense<0.000000e+00> : vector<128xf32>
    %reduce_sum3A_187 = vector.multi_reduction <add>, %select_n3A_181, %reduce_sum3A_186 [1] : vector<128x32xf32> to vector<128xf32>
    %broadcast_in_dim3A_188 = vector.shape_cast %reduce_sum3A_187 : vector<128xf32> to vector<128x1xf32>
    %div3A_189 = arith.divf %broadcast_in_dim3A_185, %broadcast_in_dim3A_188 : vector<128x1xf32>
    %le3A_190 = arith.constant 7 : i32
    %le3A_191 = vector.broadcast %le3A_190 : i32 to vector<128x32xi32>
    %le3A_192 = arith.cmpi sle, %iota3A, %le3A_191 : vector<128x32xi32>
    %jit3A_193 = arith.constant 0xFF800000 : f32
    %broadcast_in_dim3A_194 = vector.broadcast %jit3A_193 : f32 to vector<128x32xf32>
    %select_n3A_195 = arith.select %le3A_192, %neg3A_33, %broadcast_in_dim3A_194 : vector<128x32xi1>, vector<128x32xf32>
    %reduce_max3A_196 = arith.constant dense<0xFF800000> : vector<128xf32>
    %reduce_max3A_197 = vector.multi_reduction <maximumf>, %select_n3A_195, %reduce_max3A_196 [1] : vector<128x32xf32> to vector<128xf32>
    %broadcast_in_dim3A_198 = vector.shape_cast %reduce_max3A_197 : vector<128xf32> to vector<128x1xf32>
    %sub3A_199 = vector.broadcast %broadcast_in_dim3A_198 : vector<128x1xf32> to vector<128x32xf32>
    %sub3A_200 = arith.subf %neg3A_33, %sub3A_199 : vector<128x32xf32>
    %exp3A_201 = math.exp %sub3A_200 : vector<128x32xf32>
    %jit3A_202 = arith.constant 0.000000e+00 : f32
    %broadcast_in_dim3A_203 = vector.broadcast %jit3A_202 : f32 to vector<128x32xf32>
    %select_n3A_204 = arith.select %le3A_192, %exp3A_201, %broadcast_in_dim3A_203 : vector<128x32xi1>, vector<128x32xf32>
    %mul3A_205 = arith.mulf %select_n3A_204, %get3A_36 : vector<128x32xf32>
    %reduce_sum3A_206 = arith.constant dense<0.000000e+00> : vector<128xf32>
    %reduce_sum3A_207 = vector.multi_reduction <add>, %mul3A_205, %reduce_sum3A_206 [1] : vector<128x32xf32> to vector<128xf32>
    %broadcast_in_dim3A_208 = vector.shape_cast %reduce_sum3A_207 : vector<128xf32> to vector<128x1xf32>
    %reduce_sum3A_209 = arith.constant dense<0.000000e+00> : vector<128xf32>
    %reduce_sum3A_210 = vector.multi_reduction <add>, %select_n3A_204, %reduce_sum3A_209 [1] : vector<128x32xf32> to vector<128xf32>
    %broadcast_in_dim3A_211 = vector.shape_cast %reduce_sum3A_210 : vector<128xf32> to vector<128x1xf32>
    %div3A_212 = arith.divf %broadcast_in_dim3A_208, %broadcast_in_dim3A_211 : vector<128x1xf32>
    %le3A_213 = arith.constant 8 : i32
    %le3A_214 = vector.broadcast %le3A_213 : i32 to vector<128x32xi32>
    %le3A_215 = arith.cmpi sle, %iota3A, %le3A_214 : vector<128x32xi32>
    %jit3A_216 = arith.constant 0xFF800000 : f32
    %broadcast_in_dim3A_217 = vector.broadcast %jit3A_216 : f32 to vector<128x32xf32>
    %select_n3A_218 = arith.select %le3A_215, %neg3A_33, %broadcast_in_dim3A_217 : vector<128x32xi1>, vector<128x32xf32>
    %reduce_max3A_219 = arith.constant dense<0xFF800000> : vector<128xf32>
    %reduce_max3A_220 = vector.multi_reduction <maximumf>, %select_n3A_218, %reduce_max3A_219 [1] : vector<128x32xf32> to vector<128xf32>
    %broadcast_in_dim3A_221 = vector.shape_cast %reduce_max3A_220 : vector<128xf32> to vector<128x1xf32>
    %sub3A_222 = vector.broadcast %broadcast_in_dim3A_221 : vector<128x1xf32> to vector<128x32xf32>
    %sub3A_223 = arith.subf %neg3A_33, %sub3A_222 : vector<128x32xf32>
    %exp3A_224 = math.exp %sub3A_223 : vector<128x32xf32>
    %jit3A_225 = arith.constant 0.000000e+00 : f32
    %broadcast_in_dim3A_226 = vector.broadcast %jit3A_225 : f32 to vector<128x32xf32>
    %select_n3A_227 = arith.select %le3A_215, %exp3A_224, %broadcast_in_dim3A_226 : vector<128x32xi1>, vector<128x32xf32>
    %mul3A_228 = arith.mulf %select_n3A_227, %get3A_36 : vector<128x32xf32>
    %reduce_sum3A_229 = arith.constant dense<0.000000e+00> : vector<128xf32>
    %reduce_sum3A_230 = vector.multi_reduction <add>, %mul3A_228, %reduce_sum3A_229 [1] : vector<128x32xf32> to vector<128xf32>
    %broadcast_in_dim3A_231 = vector.shape_cast %reduce_sum3A_230 : vector<128xf32> to vector<128x1xf32>
    %reduce_sum3A_232 = arith.constant dense<0.000000e+00> : vector<128xf32>
    %reduce_sum3A_233 = vector.multi_reduction <add>, %select_n3A_227, %reduce_sum3A_232 [1] : vector<128x32xf32> to vector<128xf32>
    %broadcast_in_dim3A_234 = vector.shape_cast %reduce_sum3A_233 : vector<128xf32> to vector<128x1xf32>
    %div3A_235 = arith.divf %broadcast_in_dim3A_231, %broadcast_in_dim3A_234 : vector<128x1xf32>
    %le3A_236 = arith.constant 9 : i32
    %le3A_237 = vector.broadcast %le3A_236 : i32 to vector<128x32xi32>
    %le3A_238 = arith.cmpi sle, %iota3A, %le3A_237 : vector<128x32xi32>
    %jit3A_239 = arith.constant 0xFF800000 : f32
    %broadcast_in_dim3A_240 = vector.broadcast %jit3A_239 : f32 to vector<128x32xf32>
    %select_n3A_241 = arith.select %le3A_238, %neg3A_33, %broadcast_in_dim3A_240 : vector<128x32xi1>, vector<128x32xf32>
    %reduce_max3A_242 = arith.constant dense<0xFF800000> : vector<128xf32>
    %reduce_max3A_243 = vector.multi_reduction <maximumf>, %select_n3A_241, %reduce_max3A_242 [1] : vector<128x32xf32> to vector<128xf32>
    %broadcast_in_dim3A_244 = vector.shape_cast %reduce_max3A_243 : vector<128xf32> to vector<128x1xf32>
    %sub3A_245 = vector.broadcast %broadcast_in_dim3A_244 : vector<128x1xf32> to vector<128x32xf32>
    %sub3A_246 = arith.subf %neg3A_33, %sub3A_245 : vector<128x32xf32>
    %exp3A_247 = math.exp %sub3A_246 : vector<128x32xf32>
    %jit3A_248 = arith.constant 0.000000e+00 : f32
    %broadcast_in_dim3A_249 = vector.broadcast %jit3A_248 : f32 to vector<128x32xf32>
    %select_n3A_250 = arith.select %le3A_238, %exp3A_247, %broadcast_in_dim3A_249 : vector<128x32xi1>, vector<128x32xf32>
    %mul3A_251 = arith.mulf %select_n3A_250, %get3A_36 : vector<128x32xf32>
    %reduce_sum3A_252 = arith.constant dense<0.000000e+00> : vector<128xf32>
    %reduce_sum3A_253 = vector.multi_reduction <add>, %mul3A_251, %reduce_sum3A_252 [1] : vector<128x32xf32> to vector<128xf32>
    %broadcast_in_dim3A_254 = vector.shape_cast %reduce_sum3A_253 : vector<128xf32> to vector<128x1xf32>
    %reduce_sum3A_255 = arith.constant dense<0.000000e+00> : vector<128xf32>
    %reduce_sum3A_256 = vector.multi_reduction <add>, %select_n3A_250, %reduce_sum3A_255 [1] : vector<128x32xf32> to vector<128xf32>
    %broadcast_in_dim3A_257 = vector.shape_cast %reduce_sum3A_256 : vector<128xf32> to vector<128x1xf32>
    %div3A_258 = arith.divf %broadcast_in_dim3A_254, %broadcast_in_dim3A_257 : vector<128x1xf32>
    %le3A_259 = arith.constant 10 : i32
    %le3A_260 = vector.broadcast %le3A_259 : i32 to vector<128x32xi32>
    %le3A_261 = arith.cmpi sle, %iota3A, %le3A_260 : vector<128x32xi32>
    %jit3A_262 = arith.constant 0xFF800000 : f32
    %broadcast_in_dim3A_263 = vector.broadcast %jit3A_262 : f32 to vector<128x32xf32>
    %select_n3A_264 = arith.select %le3A_261, %neg3A_33, %broadcast_in_dim3A_263 : vector<128x32xi1>, vector<128x32xf32>
    %reduce_max3A_265 = arith.constant dense<0xFF800000> : vector<128xf32>
    %reduce_max3A_266 = vector.multi_reduction <maximumf>, %select_n3A_264, %reduce_max3A_265 [1] : vector<128x32xf32> to vector<128xf32>
    %broadcast_in_dim3A_267 = vector.shape_cast %reduce_max3A_266 : vector<128xf32> to vector<128x1xf32>
    %sub3A_268 = vector.broadcast %broadcast_in_dim3A_267 : vector<128x1xf32> to vector<128x32xf32>
    %sub3A_269 = arith.subf %neg3A_33, %sub3A_268 : vector<128x32xf32>
    %exp3A_270 = math.exp %sub3A_269 : vector<128x32xf32>
    %jit3A_271 = arith.constant 0.000000e+00 : f32
    %broadcast_in_dim3A_272 = vector.broadcast %jit3A_271 : f32 to vector<128x32xf32>
    %select_n3A_273 = arith.select %le3A_261, %exp3A_270, %broadcast_in_dim3A_272 : vector<128x32xi1>, vector<128x32xf32>
    %mul3A_274 = arith.mulf %select_n3A_273, %get3A_36 : vector<128x32xf32>
    %reduce_sum3A_275 = arith.constant dense<0.000000e+00> : vector<128xf32>
    %reduce_sum3A_276 = vector.multi_reduction <add>, %mul3A_274, %reduce_sum3A_275 [1] : vector<128x32xf32> to vector<128xf32>
    %broadcast_in_dim3A_277 = vector.shape_cast %reduce_sum3A_276 : vector<128xf32> to vector<128x1xf32>
    %reduce_sum3A_278 = arith.constant dense<0.000000e+00> : vector<128xf32>
    %reduce_sum3A_279 = vector.multi_reduction <add>, %select_n3A_273, %reduce_sum3A_278 [1] : vector<128x32xf32> to vector<128xf32>
    %broadcast_in_dim3A_280 = vector.shape_cast %reduce_sum3A_279 : vector<128xf32> to vector<128x1xf32>
    %div3A_281 = arith.divf %broadcast_in_dim3A_277, %broadcast_in_dim3A_280 : vector<128x1xf32>
    %le3A_282 = arith.constant 11 : i32
    %le3A_283 = vector.broadcast %le3A_282 : i32 to vector<128x32xi32>
    %le3A_284 = arith.cmpi sle, %iota3A, %le3A_283 : vector<128x32xi32>
    %jit3A_285 = arith.constant 0xFF800000 : f32
    %broadcast_in_dim3A_286 = vector.broadcast %jit3A_285 : f32 to vector<128x32xf32>
    %select_n3A_287 = arith.select %le3A_284, %neg3A_33, %broadcast_in_dim3A_286 : vector<128x32xi1>, vector<128x32xf32>
    %reduce_max3A_288 = arith.constant dense<0xFF800000> : vector<128xf32>
    %reduce_max3A_289 = vector.multi_reduction <maximumf>, %select_n3A_287, %reduce_max3A_288 [1] : vector<128x32xf32> to vector<128xf32>
    %broadcast_in_dim3A_290 = vector.shape_cast %reduce_max3A_289 : vector<128xf32> to vector<128x1xf32>
    %sub3A_291 = vector.broadcast %broadcast_in_dim3A_290 : vector<128x1xf32> to vector<128x32xf32>
    %sub3A_292 = arith.subf %neg3A_33, %sub3A_291 : vector<128x32xf32>
    %exp3A_293 = math.exp %sub3A_292 : vector<128x32xf32>
    %jit3A_294 = arith.constant 0.000000e+00 : f32
    %broadcast_in_dim3A_295 = vector.broadcast %jit3A_294 : f32 to vector<128x32xf32>
    %select_n3A_296 = arith.select %le3A_284, %exp3A_293, %broadcast_in_dim3A_295 : vector<128x32xi1>, vector<128x32xf32>
    %mul3A_297 = arith.mulf %select_n3A_296, %get3A_36 : vector<128x32xf32>
    %reduce_sum3A_298 = arith.constant dense<0.000000e+00> : vector<128xf32>
    %reduce_sum3A_299 = vector.multi_reduction <add>, %mul3A_297, %reduce_sum3A_298 [1] : vector<128x32xf32> to vector<128xf32>
    %broadcast_in_dim3A_300 = vector.shape_cast %reduce_sum3A_299 : vector<128xf32> to vector<128x1xf32>
    %reduce_sum3A_301 = arith.constant dense<0.000000e+00> : vector<128xf32>
    %reduce_sum3A_302 = vector.multi_reduction <add>, %select_n3A_296, %reduce_sum3A_301 [1] : vector<128x32xf32> to vector<128xf32>
    %broadcast_in_dim3A_303 = vector.shape_cast %reduce_sum3A_302 : vector<128xf32> to vector<128x1xf32>
    %div3A_304 = arith.divf %broadcast_in_dim3A_300, %broadcast_in_dim3A_303 : vector<128x1xf32>
    %le3A_305 = arith.constant 12 : i32
    %le3A_306 = vector.broadcast %le3A_305 : i32 to vector<128x32xi32>
    %le3A_307 = arith.cmpi sle, %iota3A, %le3A_306 : vector<128x32xi32>
    %jit3A_308 = arith.constant 0xFF800000 : f32
    %broadcast_in_dim3A_309 = vector.broadcast %jit3A_308 : f32 to vector<128x32xf32>
    %select_n3A_310 = arith.select %le3A_307, %neg3A_33, %broadcast_in_dim3A_309 : vector<128x32xi1>, vector<128x32xf32>
    %reduce_max3A_311 = arith.constant dense<0xFF800000> : vector<128xf32>
    %reduce_max3A_312 = vector.multi_reduction <maximumf>, %select_n3A_310, %reduce_max3A_311 [1] : vector<128x32xf32> to vector<128xf32>
    %broadcast_in_dim3A_313 = vector.shape_cast %reduce_max3A_312 : vector<128xf32> to vector<128x1xf32>
    %sub3A_314 = vector.broadcast %broadcast_in_dim3A_313 : vector<128x1xf32> to vector<128x32xf32>
    %sub3A_315 = arith.subf %neg3A_33, %sub3A_314 : vector<128x32xf32>
    %exp3A_316 = math.exp %sub3A_315 : vector<128x32xf32>
    %jit3A_317 = arith.constant 0.000000e+00 : f32
    %broadcast_in_dim3A_318 = vector.broadcast %jit3A_317 : f32 to vector<128x32xf32>
    %select_n3A_319 = arith.select %le3A_307, %exp3A_316, %broadcast_in_dim3A_318 : vector<128x32xi1>, vector<128x32xf32>
    %mul3A_320 = arith.mulf %select_n3A_319, %get3A_36 : vector<128x32xf32>
    %reduce_sum3A_321 = arith.constant dense<0.000000e+00> : vector<128xf32>
    %reduce_sum3A_322 = vector.multi_reduction <add>, %mul3A_320, %reduce_sum3A_321 [1] : vector<128x32xf32> to vector<128xf32>
    %broadcast_in_dim3A_323 = vector.shape_cast %reduce_sum3A_322 : vector<128xf32> to vector<128x1xf32>
    %reduce_sum3A_324 = arith.constant dense<0.000000e+00> : vector<128xf32>
    %reduce_sum3A_325 = vector.multi_reduction <add>, %select_n3A_319, %reduce_sum3A_324 [1] : vector<128x32xf32> to vector<128xf32>
    %broadcast_in_dim3A_326 = vector.shape_cast %reduce_sum3A_325 : vector<128xf32> to vector<128x1xf32>
    %div3A_327 = arith.divf %broadcast_in_dim3A_323, %broadcast_in_dim3A_326 : vector<128x1xf32>
    %le3A_328 = arith.constant 13 : i32
    %le3A_329 = vector.broadcast %le3A_328 : i32 to vector<128x32xi32>
    %le3A_330 = arith.cmpi sle, %iota3A, %le3A_329 : vector<128x32xi32>
    %jit3A_331 = arith.constant 0xFF800000 : f32
    %broadcast_in_dim3A_332 = vector.broadcast %jit3A_331 : f32 to vector<128x32xf32>
    %select_n3A_333 = arith.select %le3A_330, %neg3A_33, %broadcast_in_dim3A_332 : vector<128x32xi1>, vector<128x32xf32>
    %reduce_max3A_334 = arith.constant dense<0xFF800000> : vector<128xf32>
    %reduce_max3A_335 = vector.multi_reduction <maximumf>, %select_n3A_333, %reduce_max3A_334 [1] : vector<128x32xf32> to vector<128xf32>
    %broadcast_in_dim3A_336 = vector.shape_cast %reduce_max3A_335 : vector<128xf32> to vector<128x1xf32>
    %sub3A_337 = vector.broadcast %broadcast_in_dim3A_336 : vector<128x1xf32> to vector<128x32xf32>
    %sub3A_338 = arith.subf %neg3A_33, %sub3A_337 : vector<128x32xf32>
    %exp3A_339 = math.exp %sub3A_338 : vector<128x32xf32>
    %jit3A_340 = arith.constant 0.000000e+00 : f32
    %broadcast_in_dim3A_341 = vector.broadcast %jit3A_340 : f32 to vector<128x32xf32>
    %select_n3A_342 = arith.select %le3A_330, %exp3A_339, %broadcast_in_dim3A_341 : vector<128x32xi1>, vector<128x32xf32>
    %mul3A_343 = arith.mulf %select_n3A_342, %get3A_36 : vector<128x32xf32>
    %reduce_sum3A_344 = arith.constant dense<0.000000e+00> : vector<128xf32>
    %reduce_sum3A_345 = vector.multi_reduction <add>, %mul3A_343, %reduce_sum3A_344 [1] : vector<128x32xf32> to vector<128xf32>
    %broadcast_in_dim3A_346 = vector.shape_cast %reduce_sum3A_345 : vector<128xf32> to vector<128x1xf32>
    %reduce_sum3A_347 = arith.constant dense<0.000000e+00> : vector<128xf32>
    %reduce_sum3A_348 = vector.multi_reduction <add>, %select_n3A_342, %reduce_sum3A_347 [1] : vector<128x32xf32> to vector<128xf32>
    %broadcast_in_dim3A_349 = vector.shape_cast %reduce_sum3A_348 : vector<128xf32> to vector<128x1xf32>
    %div3A_350 = arith.divf %broadcast_in_dim3A_346, %broadcast_in_dim3A_349 : vector<128x1xf32>
    %le3A_351 = arith.constant 14 : i32
    %le3A_352 = vector.broadcast %le3A_351 : i32 to vector<128x32xi32>
    %le3A_353 = arith.cmpi sle, %iota3A, %le3A_352 : vector<128x32xi32>
    %jit3A_354 = arith.constant 0xFF800000 : f32
    %broadcast_in_dim3A_355 = vector.broadcast %jit3A_354 : f32 to vector<128x32xf32>
    %select_n3A_356 = arith.select %le3A_353, %neg3A_33, %broadcast_in_dim3A_355 : vector<128x32xi1>, vector<128x32xf32>
    %reduce_max3A_357 = arith.constant dense<0xFF800000> : vector<128xf32>
    %reduce_max3A_358 = vector.multi_reduction <maximumf>, %select_n3A_356, %reduce_max3A_357 [1] : vector<128x32xf32> to vector<128xf32>
    %broadcast_in_dim3A_359 = vector.shape_cast %reduce_max3A_358 : vector<128xf32> to vector<128x1xf32>
    %sub3A_360 = vector.broadcast %broadcast_in_dim3A_359 : vector<128x1xf32> to vector<128x32xf32>
    %sub3A_361 = arith.subf %neg3A_33, %sub3A_360 : vector<128x32xf32>
    %exp3A_362 = math.exp %sub3A_361 : vector<128x32xf32>
    %jit3A_363 = arith.constant 0.000000e+00 : f32
    %broadcast_in_dim3A_364 = vector.broadcast %jit3A_363 : f32 to vector<128x32xf32>
    %select_n3A_365 = arith.select %le3A_353, %exp3A_362, %broadcast_in_dim3A_364 : vector<128x32xi1>, vector<128x32xf32>
    %mul3A_366 = arith.mulf %select_n3A_365, %get3A_36 : vector<128x32xf32>
    %reduce_sum3A_367 = arith.constant dense<0.000000e+00> : vector<128xf32>
    %reduce_sum3A_368 = vector.multi_reduction <add>, %mul3A_366, %reduce_sum3A_367 [1] : vector<128x32xf32> to vector<128xf32>
    %broadcast_in_dim3A_369 = vector.shape_cast %reduce_sum3A_368 : vector<128xf32> to vector<128x1xf32>
    %reduce_sum3A_370 = arith.constant dense<0.000000e+00> : vector<128xf32>
    %reduce_sum3A_371 = vector.multi_reduction <add>, %select_n3A_365, %reduce_sum3A_370 [1] : vector<128x32xf32> to vector<128xf32>
    %broadcast_in_dim3A_372 = vector.shape_cast %reduce_sum3A_371 : vector<128xf32> to vector<128x1xf32>
    %div3A_373 = arith.divf %broadcast_in_dim3A_369, %broadcast_in_dim3A_372 : vector<128x1xf32>
    %le3A_374 = arith.constant 15 : i32
    %le3A_375 = vector.broadcast %le3A_374 : i32 to vector<128x32xi32>
    %le3A_376 = arith.cmpi sle, %iota3A, %le3A_375 : vector<128x32xi32>
    %jit3A_377 = arith.constant 0xFF800000 : f32
    %broadcast_in_dim3A_378 = vector.broadcast %jit3A_377 : f32 to vector<128x32xf32>
    %select_n3A_379 = arith.select %le3A_376, %neg3A_33, %broadcast_in_dim3A_378 : vector<128x32xi1>, vector<128x32xf32>
    %reduce_max3A_380 = arith.constant dense<0xFF800000> : vector<128xf32>
    %reduce_max3A_381 = vector.multi_reduction <maximumf>, %select_n3A_379, %reduce_max3A_380 [1] : vector<128x32xf32> to vector<128xf32>
    %broadcast_in_dim3A_382 = vector.shape_cast %reduce_max3A_381 : vector<128xf32> to vector<128x1xf32>
    %sub3A_383 = vector.broadcast %broadcast_in_dim3A_382 : vector<128x1xf32> to vector<128x32xf32>
    %sub3A_384 = arith.subf %neg3A_33, %sub3A_383 : vector<128x32xf32>
    %exp3A_385 = math.exp %sub3A_384 : vector<128x32xf32>
    %jit3A_386 = arith.constant 0.000000e+00 : f32
    %broadcast_in_dim3A_387 = vector.broadcast %jit3A_386 : f32 to vector<128x32xf32>
    %select_n3A_388 = arith.select %le3A_376, %exp3A_385, %broadcast_in_dim3A_387 : vector<128x32xi1>, vector<128x32xf32>
    %mul3A_389 = arith.mulf %select_n3A_388, %get3A_36 : vector<128x32xf32>
    %reduce_sum3A_390 = arith.constant dense<0.000000e+00> : vector<128xf32>
    %reduce_sum3A_391 = vector.multi_reduction <add>, %mul3A_389, %reduce_sum3A_390 [1] : vector<128x32xf32> to vector<128xf32>
    %broadcast_in_dim3A_392 = vector.shape_cast %reduce_sum3A_391 : vector<128xf32> to vector<128x1xf32>
    %reduce_sum3A_393 = arith.constant dense<0.000000e+00> : vector<128xf32>
    %reduce_sum3A_394 = vector.multi_reduction <add>, %select_n3A_388, %reduce_sum3A_393 [1] : vector<128x32xf32> to vector<128xf32>
    %broadcast_in_dim3A_395 = vector.shape_cast %reduce_sum3A_394 : vector<128xf32> to vector<128x1xf32>
    %div3A_396 = arith.divf %broadcast_in_dim3A_392, %broadcast_in_dim3A_395 : vector<128x1xf32>
    %le3A_397 = arith.constant 16 : i32
    %le3A_398 = vector.broadcast %le3A_397 : i32 to vector<128x32xi32>
    %le3A_399 = arith.cmpi sle, %iota3A, %le3A_398 : vector<128x32xi32>
    %jit3A_400 = arith.constant 0xFF800000 : f32
    %broadcast_in_dim3A_401 = vector.broadcast %jit3A_400 : f32 to vector<128x32xf32>
    %select_n3A_402 = arith.select %le3A_399, %neg3A_33, %broadcast_in_dim3A_401 : vector<128x32xi1>, vector<128x32xf32>
    %reduce_max3A_403 = arith.constant dense<0xFF800000> : vector<128xf32>
    %reduce_max3A_404 = vector.multi_reduction <maximumf>, %select_n3A_402, %reduce_max3A_403 [1] : vector<128x32xf32> to vector<128xf32>
    %broadcast_in_dim3A_405 = vector.shape_cast %reduce_max3A_404 : vector<128xf32> to vector<128x1xf32>
    %sub3A_406 = vector.broadcast %broadcast_in_dim3A_405 : vector<128x1xf32> to vector<128x32xf32>
    %sub3A_407 = arith.subf %neg3A_33, %sub3A_406 : vector<128x32xf32>
    %exp3A_408 = math.exp %sub3A_407 : vector<128x32xf32>
    %jit3A_409 = arith.constant 0.000000e+00 : f32
    %broadcast_in_dim3A_410 = vector.broadcast %jit3A_409 : f32 to vector<128x32xf32>
    %select_n3A_411 = arith.select %le3A_399, %exp3A_408, %broadcast_in_dim3A_410 : vector<128x32xi1>, vector<128x32xf32>
    %mul3A_412 = arith.mulf %select_n3A_411, %get3A_36 : vector<128x32xf32>
    %reduce_sum3A_413 = arith.constant dense<0.000000e+00> : vector<128xf32>
    %reduce_sum3A_414 = vector.multi_reduction <add>, %mul3A_412, %reduce_sum3A_413 [1] : vector<128x32xf32> to vector<128xf32>
    %broadcast_in_dim3A_415 = vector.shape_cast %reduce_sum3A_414 : vector<128xf32> to vector<128x1xf32>
    %reduce_sum3A_416 = arith.constant dense<0.000000e+00> : vector<128xf32>
    %reduce_sum3A_417 = vector.multi_reduction <add>, %select_n3A_411, %reduce_sum3A_416 [1] : vector<128x32xf32> to vector<128xf32>
    %broadcast_in_dim3A_418 = vector.shape_cast %reduce_sum3A_417 : vector<128xf32> to vector<128x1xf32>
    %div3A_419 = arith.divf %broadcast_in_dim3A_415, %broadcast_in_dim3A_418 : vector<128x1xf32>
    %le3A_420 = arith.constant 17 : i32
    %le3A_421 = vector.broadcast %le3A_420 : i32 to vector<128x32xi32>
    %le3A_422 = arith.cmpi sle, %iota3A, %le3A_421 : vector<128x32xi32>
    %jit3A_423 = arith.constant 0xFF800000 : f32
    %broadcast_in_dim3A_424 = vector.broadcast %jit3A_423 : f32 to vector<128x32xf32>
    %select_n3A_425 = arith.select %le3A_422, %neg3A_33, %broadcast_in_dim3A_424 : vector<128x32xi1>, vector<128x32xf32>
    %reduce_max3A_426 = arith.constant dense<0xFF800000> : vector<128xf32>
    %reduce_max3A_427 = vector.multi_reduction <maximumf>, %select_n3A_425, %reduce_max3A_426 [1] : vector<128x32xf32> to vector<128xf32>
    %broadcast_in_dim3A_428 = vector.shape_cast %reduce_max3A_427 : vector<128xf32> to vector<128x1xf32>
    %sub3A_429 = vector.broadcast %broadcast_in_dim3A_428 : vector<128x1xf32> to vector<128x32xf32>
    %sub3A_430 = arith.subf %neg3A_33, %sub3A_429 : vector<128x32xf32>
    %exp3A_431 = math.exp %sub3A_430 : vector<128x32xf32>
    %jit3A_432 = arith.constant 0.000000e+00 : f32
    %broadcast_in_dim3A_433 = vector.broadcast %jit3A_432 : f32 to vector<128x32xf32>
    %select_n3A_434 = arith.select %le3A_422, %exp3A_431, %broadcast_in_dim3A_433 : vector<128x32xi1>, vector<128x32xf32>
    %mul3A_435 = arith.mulf %select_n3A_434, %get3A_36 : vector<128x32xf32>
    %reduce_sum3A_436 = arith.constant dense<0.000000e+00> : vector<128xf32>
    %reduce_sum3A_437 = vector.multi_reduction <add>, %mul3A_435, %reduce_sum3A_436 [1] : vector<128x32xf32> to vector<128xf32>
    %broadcast_in_dim3A_438 = vector.shape_cast %reduce_sum3A_437 : vector<128xf32> to vector<128x1xf32>
    %reduce_sum3A_439 = arith.constant dense<0.000000e+00> : vector<128xf32>
    %reduce_sum3A_440 = vector.multi_reduction <add>, %select_n3A_434, %reduce_sum3A_439 [1] : vector<128x32xf32> to vector<128xf32>
    %broadcast_in_dim3A_441 = vector.shape_cast %reduce_sum3A_440 : vector<128xf32> to vector<128x1xf32>
    %div3A_442 = arith.divf %broadcast_in_dim3A_438, %broadcast_in_dim3A_441 : vector<128x1xf32>
    %le3A_443 = arith.constant 18 : i32
    %le3A_444 = vector.broadcast %le3A_443 : i32 to vector<128x32xi32>
    %le3A_445 = arith.cmpi sle, %iota3A, %le3A_444 : vector<128x32xi32>
    %jit3A_446 = arith.constant 0xFF800000 : f32
    %broadcast_in_dim3A_447 = vector.broadcast %jit3A_446 : f32 to vector<128x32xf32>
    %select_n3A_448 = arith.select %le3A_445, %neg3A_33, %broadcast_in_dim3A_447 : vector<128x32xi1>, vector<128x32xf32>
    %reduce_max3A_449 = arith.constant dense<0xFF800000> : vector<128xf32>
    %reduce_max3A_450 = vector.multi_reduction <maximumf>, %select_n3A_448, %reduce_max3A_449 [1] : vector<128x32xf32> to vector<128xf32>
    %broadcast_in_dim3A_451 = vector.shape_cast %reduce_max3A_450 : vector<128xf32> to vector<128x1xf32>
    %sub3A_452 = vector.broadcast %broadcast_in_dim3A_451 : vector<128x1xf32> to vector<128x32xf32>
    %sub3A_453 = arith.subf %neg3A_33, %sub3A_452 : vector<128x32xf32>
    %exp3A_454 = math.exp %sub3A_453 : vector<128x32xf32>
    %jit3A_455 = arith.constant 0.000000e+00 : f32
    %broadcast_in_dim3A_456 = vector.broadcast %jit3A_455 : f32 to vector<128x32xf32>
    %select_n3A_457 = arith.select %le3A_445, %exp3A_454, %broadcast_in_dim3A_456 : vector<128x32xi1>, vector<128x32xf32>
    %mul3A_458 = arith.mulf %select_n3A_457, %get3A_36 : vector<128x32xf32>
    %reduce_sum3A_459 = arith.constant dense<0.000000e+00> : vector<128xf32>
    %reduce_sum3A_460 = vector.multi_reduction <add>, %mul3A_458, %reduce_sum3A_459 [1] : vector<128x32xf32> to vector<128xf32>
    %broadcast_in_dim3A_461 = vector.shape_cast %reduce_sum3A_460 : vector<128xf32> to vector<128x1xf32>
    %reduce_sum3A_462 = arith.constant dense<0.000000e+00> : vector<128xf32>
    %reduce_sum3A_463 = vector.multi_reduction <add>, %select_n3A_457, %reduce_sum3A_462 [1] : vector<128x32xf32> to vector<128xf32>
    %broadcast_in_dim3A_464 = vector.shape_cast %reduce_sum3A_463 : vector<128xf32> to vector<128x1xf32>
    %div3A_465 = arith.divf %broadcast_in_dim3A_461, %broadcast_in_dim3A_464 : vector<128x1xf32>
    %le3A_466 = arith.constant 19 : i32
    %le3A_467 = vector.broadcast %le3A_466 : i32 to vector<128x32xi32>
    %le3A_468 = arith.cmpi sle, %iota3A, %le3A_467 : vector<128x32xi32>
    %jit3A_469 = arith.constant 0xFF800000 : f32
    %broadcast_in_dim3A_470 = vector.broadcast %jit3A_469 : f32 to vector<128x32xf32>
    %select_n3A_471 = arith.select %le3A_468, %neg3A_33, %broadcast_in_dim3A_470 : vector<128x32xi1>, vector<128x32xf32>
    %reduce_max3A_472 = arith.constant dense<0xFF800000> : vector<128xf32>
    %reduce_max3A_473 = vector.multi_reduction <maximumf>, %select_n3A_471, %reduce_max3A_472 [1] : vector<128x32xf32> to vector<128xf32>
    %broadcast_in_dim3A_474 = vector.shape_cast %reduce_max3A_473 : vector<128xf32> to vector<128x1xf32>
    %sub3A_475 = vector.broadcast %broadcast_in_dim3A_474 : vector<128x1xf32> to vector<128x32xf32>
    %sub3A_476 = arith.subf %neg3A_33, %sub3A_475 : vector<128x32xf32>
    %exp3A_477 = math.exp %sub3A_476 : vector<128x32xf32>
    %jit3A_478 = arith.constant 0.000000e+00 : f32
    %broadcast_in_dim3A_479 = vector.broadcast %jit3A_478 : f32 to vector<128x32xf32>
    %select_n3A_480 = arith.select %le3A_468, %exp3A_477, %broadcast_in_dim3A_479 : vector<128x32xi1>, vector<128x32xf32>
    %mul3A_481 = arith.mulf %select_n3A_480, %get3A_36 : vector<128x32xf32>
    %reduce_sum3A_482 = arith.constant dense<0.000000e+00> : vector<128xf32>
    %reduce_sum3A_483 = vector.multi_reduction <add>, %mul3A_481, %reduce_sum3A_482 [1] : vector<128x32xf32> to vector<128xf32>
    %broadcast_in_dim3A_484 = vector.shape_cast %reduce_sum3A_483 : vector<128xf32> to vector<128x1xf32>
    %reduce_sum3A_485 = arith.constant dense<0.000000e+00> : vector<128xf32>
    %reduce_sum3A_486 = vector.multi_reduction <add>, %select_n3A_480, %reduce_sum3A_485 [1] : vector<128x32xf32> to vector<128xf32>
    %broadcast_in_dim3A_487 = vector.shape_cast %reduce_sum3A_486 : vector<128xf32> to vector<128x1xf32>
    %div3A_488 = arith.divf %broadcast_in_dim3A_484, %broadcast_in_dim3A_487 : vector<128x1xf32>
    %le3A_489 = arith.constant 20 : i32
    %le3A_490 = vector.broadcast %le3A_489 : i32 to vector<128x32xi32>
    %le3A_491 = arith.cmpi sle, %iota3A, %le3A_490 : vector<128x32xi32>
    %jit3A_492 = arith.constant 0xFF800000 : f32
    %broadcast_in_dim3A_493 = vector.broadcast %jit3A_492 : f32 to vector<128x32xf32>
    %select_n3A_494 = arith.select %le3A_491, %neg3A_33, %broadcast_in_dim3A_493 : vector<128x32xi1>, vector<128x32xf32>
    %reduce_max3A_495 = arith.constant dense<0xFF800000> : vector<128xf32>
    %reduce_max3A_496 = vector.multi_reduction <maximumf>, %select_n3A_494, %reduce_max3A_495 [1] : vector<128x32xf32> to vector<128xf32>
    %broadcast_in_dim3A_497 = vector.shape_cast %reduce_max3A_496 : vector<128xf32> to vector<128x1xf32>
    %sub3A_498 = vector.broadcast %broadcast_in_dim3A_497 : vector<128x1xf32> to vector<128x32xf32>
    %sub3A_499 = arith.subf %neg3A_33, %sub3A_498 : vector<128x32xf32>
    %exp3A_500 = math.exp %sub3A_499 : vector<128x32xf32>
    %jit3A_501 = arith.constant 0.000000e+00 : f32
    %broadcast_in_dim3A_502 = vector.broadcast %jit3A_501 : f32 to vector<128x32xf32>
    %select_n3A_503 = arith.select %le3A_491, %exp3A_500, %broadcast_in_dim3A_502 : vector<128x32xi1>, vector<128x32xf32>
    %mul3A_504 = arith.mulf %select_n3A_503, %get3A_36 : vector<128x32xf32>
    %reduce_sum3A_505 = arith.constant dense<0.000000e+00> : vector<128xf32>
    %reduce_sum3A_506 = vector.multi_reduction <add>, %mul3A_504, %reduce_sum3A_505 [1] : vector<128x32xf32> to vector<128xf32>
    %broadcast_in_dim3A_507 = vector.shape_cast %reduce_sum3A_506 : vector<128xf32> to vector<128x1xf32>
    %reduce_sum3A_508 = arith.constant dense<0.000000e+00> : vector<128xf32>
    %reduce_sum3A_509 = vector.multi_reduction <add>, %select_n3A_503, %reduce_sum3A_508 [1] : vector<128x32xf32> to vector<128xf32>
    %broadcast_in_dim3A_510 = vector.shape_cast %reduce_sum3A_509 : vector<128xf32> to vector<128x1xf32>
    %div3A_511 = arith.divf %broadcast_in_dim3A_507, %broadcast_in_dim3A_510 : vector<128x1xf32>
    %le3A_512 = arith.constant 21 : i32
    %le3A_513 = vector.broadcast %le3A_512 : i32 to vector<128x32xi32>
    %le3A_514 = arith.cmpi sle, %iota3A, %le3A_513 : vector<128x32xi32>
    %jit3A_515 = arith.constant 0xFF800000 : f32
    %broadcast_in_dim3A_516 = vector.broadcast %jit3A_515 : f32 to vector<128x32xf32>
    %select_n3A_517 = arith.select %le3A_514, %neg3A_33, %broadcast_in_dim3A_516 : vector<128x32xi1>, vector<128x32xf32>
    %reduce_max3A_518 = arith.constant dense<0xFF800000> : vector<128xf32>
    %reduce_max3A_519 = vector.multi_reduction <maximumf>, %select_n3A_517, %reduce_max3A_518 [1] : vector<128x32xf32> to vector<128xf32>
    %broadcast_in_dim3A_520 = vector.shape_cast %reduce_max3A_519 : vector<128xf32> to vector<128x1xf32>
    %sub3A_521 = vector.broadcast %broadcast_in_dim3A_520 : vector<128x1xf32> to vector<128x32xf32>
    %sub3A_522 = arith.subf %neg3A_33, %sub3A_521 : vector<128x32xf32>
    %exp3A_523 = math.exp %sub3A_522 : vector<128x32xf32>
    %jit3A_524 = arith.constant 0.000000e+00 : f32
    %broadcast_in_dim3A_525 = vector.broadcast %jit3A_524 : f32 to vector<128x32xf32>
    %select_n3A_526 = arith.select %le3A_514, %exp3A_523, %broadcast_in_dim3A_525 : vector<128x32xi1>, vector<128x32xf32>
    %mul3A_527 = arith.mulf %select_n3A_526, %get3A_36 : vector<128x32xf32>
    %reduce_sum3A_528 = arith.constant dense<0.000000e+00> : vector<128xf32>
    %reduce_sum3A_529 = vector.multi_reduction <add>, %mul3A_527, %reduce_sum3A_528 [1] : vector<128x32xf32> to vector<128xf32>
    %broadcast_in_dim3A_530 = vector.shape_cast %reduce_sum3A_529 : vector<128xf32> to vector<128x1xf32>
    %reduce_sum3A_531 = arith.constant dense<0.000000e+00> : vector<128xf32>
    %reduce_sum3A_532 = vector.multi_reduction <add>, %select_n3A_526, %reduce_sum3A_531 [1] : vector<128x32xf32> to vector<128xf32>
    %broadcast_in_dim3A_533 = vector.shape_cast %reduce_sum3A_532 : vector<128xf32> to vector<128x1xf32>
    %div3A_534 = arith.divf %broadcast_in_dim3A_530, %broadcast_in_dim3A_533 : vector<128x1xf32>
    %le3A_535 = arith.constant 22 : i32
    %le3A_536 = vector.broadcast %le3A_535 : i32 to vector<128x32xi32>
    %le3A_537 = arith.cmpi sle, %iota3A, %le3A_536 : vector<128x32xi32>
    %jit3A_538 = arith.constant 0xFF800000 : f32
    %broadcast_in_dim3A_539 = vector.broadcast %jit3A_538 : f32 to vector<128x32xf32>
    %select_n3A_540 = arith.select %le3A_537, %neg3A_33, %broadcast_in_dim3A_539 : vector<128x32xi1>, vector<128x32xf32>
    %reduce_max3A_541 = arith.constant dense<0xFF800000> : vector<128xf32>
    %reduce_max3A_542 = vector.multi_reduction <maximumf>, %select_n3A_540, %reduce_max3A_541 [1] : vector<128x32xf32> to vector<128xf32>
    %broadcast_in_dim3A_543 = vector.shape_cast %reduce_max3A_542 : vector<128xf32> to vector<128x1xf32>
    %sub3A_544 = vector.broadcast %broadcast_in_dim3A_543 : vector<128x1xf32> to vector<128x32xf32>
    %sub3A_545 = arith.subf %neg3A_33, %sub3A_544 : vector<128x32xf32>
    %exp3A_546 = math.exp %sub3A_545 : vector<128x32xf32>
    %jit3A_547 = arith.constant 0.000000e+00 : f32
    %broadcast_in_dim3A_548 = vector.broadcast %jit3A_547 : f32 to vector<128x32xf32>
    %select_n3A_549 = arith.select %le3A_537, %exp3A_546, %broadcast_in_dim3A_548 : vector<128x32xi1>, vector<128x32xf32>
    %mul3A_550 = arith.mulf %select_n3A_549, %get3A_36 : vector<128x32xf32>
    %reduce_sum3A_551 = arith.constant dense<0.000000e+00> : vector<128xf32>
    %reduce_sum3A_552 = vector.multi_reduction <add>, %mul3A_550, %reduce_sum3A_551 [1] : vector<128x32xf32> to vector<128xf32>
    %broadcast_in_dim3A_553 = vector.shape_cast %reduce_sum3A_552 : vector<128xf32> to vector<128x1xf32>
    %reduce_sum3A_554 = arith.constant dense<0.000000e+00> : vector<128xf32>
    %reduce_sum3A_555 = vector.multi_reduction <add>, %select_n3A_549, %reduce_sum3A_554 [1] : vector<128x32xf32> to vector<128xf32>
    %broadcast_in_dim3A_556 = vector.shape_cast %reduce_sum3A_555 : vector<128xf32> to vector<128x1xf32>
    %div3A_557 = arith.divf %broadcast_in_dim3A_553, %broadcast_in_dim3A_556 : vector<128x1xf32>
    %le3A_558 = arith.constant 23 : i32
    %le3A_559 = vector.broadcast %le3A_558 : i32 to vector<128x32xi32>
    %le3A_560 = arith.cmpi sle, %iota3A, %le3A_559 : vector<128x32xi32>
    %jit3A_561 = arith.constant 0xFF800000 : f32
    %broadcast_in_dim3A_562 = vector.broadcast %jit3A_561 : f32 to vector<128x32xf32>
    %select_n3A_563 = arith.select %le3A_560, %neg3A_33, %broadcast_in_dim3A_562 : vector<128x32xi1>, vector<128x32xf32>
    %reduce_max3A_564 = arith.constant dense<0xFF800000> : vector<128xf32>
    %reduce_max3A_565 = vector.multi_reduction <maximumf>, %select_n3A_563, %reduce_max3A_564 [1] : vector<128x32xf32> to vector<128xf32>
    %broadcast_in_dim3A_566 = vector.shape_cast %reduce_max3A_565 : vector<128xf32> to vector<128x1xf32>
    %sub3A_567 = vector.broadcast %broadcast_in_dim3A_566 : vector<128x1xf32> to vector<128x32xf32>
    %sub3A_568 = arith.subf %neg3A_33, %sub3A_567 : vector<128x32xf32>
    %exp3A_569 = math.exp %sub3A_568 : vector<128x32xf32>
    %jit3A_570 = arith.constant 0.000000e+00 : f32
    %broadcast_in_dim3A_571 = vector.broadcast %jit3A_570 : f32 to vector<128x32xf32>
    %select_n3A_572 = arith.select %le3A_560, %exp3A_569, %broadcast_in_dim3A_571 : vector<128x32xi1>, vector<128x32xf32>
    %mul3A_573 = arith.mulf %select_n3A_572, %get3A_36 : vector<128x32xf32>
    %reduce_sum3A_574 = arith.constant dense<0.000000e+00> : vector<128xf32>
    %reduce_sum3A_575 = vector.multi_reduction <add>, %mul3A_573, %reduce_sum3A_574 [1] : vector<128x32xf32> to vector<128xf32>
    %broadcast_in_dim3A_576 = vector.shape_cast %reduce_sum3A_575 : vector<128xf32> to vector<128x1xf32>
    %reduce_sum3A_577 = arith.constant dense<0.000000e+00> : vector<128xf32>
    %reduce_sum3A_578 = vector.multi_reduction <add>, %select_n3A_572, %reduce_sum3A_577 [1] : vector<128x32xf32> to vector<128xf32>
    %broadcast_in_dim3A_579 = vector.shape_cast %reduce_sum3A_578 : vector<128xf32> to vector<128x1xf32>
    %div3A_580 = arith.divf %broadcast_in_dim3A_576, %broadcast_in_dim3A_579 : vector<128x1xf32>
    %le3A_581 = arith.constant 24 : i32
    %le3A_582 = vector.broadcast %le3A_581 : i32 to vector<128x32xi32>
    %le3A_583 = arith.cmpi sle, %iota3A, %le3A_582 : vector<128x32xi32>
    %jit3A_584 = arith.constant 0xFF800000 : f32
    %broadcast_in_dim3A_585 = vector.broadcast %jit3A_584 : f32 to vector<128x32xf32>
    %select_n3A_586 = arith.select %le3A_583, %neg3A_33, %broadcast_in_dim3A_585 : vector<128x32xi1>, vector<128x32xf32>
    %reduce_max3A_587 = arith.constant dense<0xFF800000> : vector<128xf32>
    %reduce_max3A_588 = vector.multi_reduction <maximumf>, %select_n3A_586, %reduce_max3A_587 [1] : vector<128x32xf32> to vector<128xf32>
    %broadcast_in_dim3A_589 = vector.shape_cast %reduce_max3A_588 : vector<128xf32> to vector<128x1xf32>
    %sub3A_590 = vector.broadcast %broadcast_in_dim3A_589 : vector<128x1xf32> to vector<128x32xf32>
    %sub3A_591 = arith.subf %neg3A_33, %sub3A_590 : vector<128x32xf32>
    %exp3A_592 = math.exp %sub3A_591 : vector<128x32xf32>
    %jit3A_593 = arith.constant 0.000000e+00 : f32
    %broadcast_in_dim3A_594 = vector.broadcast %jit3A_593 : f32 to vector<128x32xf32>
    %select_n3A_595 = arith.select %le3A_583, %exp3A_592, %broadcast_in_dim3A_594 : vector<128x32xi1>, vector<128x32xf32>
    %mul3A_596 = arith.mulf %select_n3A_595, %get3A_36 : vector<128x32xf32>
    %reduce_sum3A_597 = arith.constant dense<0.000000e+00> : vector<128xf32>
    %reduce_sum3A_598 = vector.multi_reduction <add>, %mul3A_596, %reduce_sum3A_597 [1] : vector<128x32xf32> to vector<128xf32>
    %broadcast_in_dim3A_599 = vector.shape_cast %reduce_sum3A_598 : vector<128xf32> to vector<128x1xf32>
    %reduce_sum3A_600 = arith.constant dense<0.000000e+00> : vector<128xf32>
    %reduce_sum3A_601 = vector.multi_reduction <add>, %select_n3A_595, %reduce_sum3A_600 [1] : vector<128x32xf32> to vector<128xf32>
    %broadcast_in_dim3A_602 = vector.shape_cast %reduce_sum3A_601 : vector<128xf32> to vector<128x1xf32>
    %div3A_603 = arith.divf %broadcast_in_dim3A_599, %broadcast_in_dim3A_602 : vector<128x1xf32>
    %le3A_604 = arith.constant 25 : i32
    %le3A_605 = vector.broadcast %le3A_604 : i32 to vector<128x32xi32>
    %le3A_606 = arith.cmpi sle, %iota3A, %le3A_605 : vector<128x32xi32>
    %jit3A_607 = arith.constant 0xFF800000 : f32
    %broadcast_in_dim3A_608 = vector.broadcast %jit3A_607 : f32 to vector<128x32xf32>
    %select_n3A_609 = arith.select %le3A_606, %neg3A_33, %broadcast_in_dim3A_608 : vector<128x32xi1>, vector<128x32xf32>
    %reduce_max3A_610 = arith.constant dense<0xFF800000> : vector<128xf32>
    %reduce_max3A_611 = vector.multi_reduction <maximumf>, %select_n3A_609, %reduce_max3A_610 [1] : vector<128x32xf32> to vector<128xf32>
    %broadcast_in_dim3A_612 = vector.shape_cast %reduce_max3A_611 : vector<128xf32> to vector<128x1xf32>
    %sub3A_613 = vector.broadcast %broadcast_in_dim3A_612 : vector<128x1xf32> to vector<128x32xf32>
    %sub3A_614 = arith.subf %neg3A_33, %sub3A_613 : vector<128x32xf32>
    %exp3A_615 = math.exp %sub3A_614 : vector<128x32xf32>
    %jit3A_616 = arith.constant 0.000000e+00 : f32
    %broadcast_in_dim3A_617 = vector.broadcast %jit3A_616 : f32 to vector<128x32xf32>
    %select_n3A_618 = arith.select %le3A_606, %exp3A_615, %broadcast_in_dim3A_617 : vector<128x32xi1>, vector<128x32xf32>
    %mul3A_619 = arith.mulf %select_n3A_618, %get3A_36 : vector<128x32xf32>
    %reduce_sum3A_620 = arith.constant dense<0.000000e+00> : vector<128xf32>
    %reduce_sum3A_621 = vector.multi_reduction <add>, %mul3A_619, %reduce_sum3A_620 [1] : vector<128x32xf32> to vector<128xf32>
    %broadcast_in_dim3A_622 = vector.shape_cast %reduce_sum3A_621 : vector<128xf32> to vector<128x1xf32>
    %reduce_sum3A_623 = arith.constant dense<0.000000e+00> : vector<128xf32>
    %reduce_sum3A_624 = vector.multi_reduction <add>, %select_n3A_618, %reduce_sum3A_623 [1] : vector<128x32xf32> to vector<128xf32>
    %broadcast_in_dim3A_625 = vector.shape_cast %reduce_sum3A_624 : vector<128xf32> to vector<128x1xf32>
    %div3A_626 = arith.divf %broadcast_in_dim3A_622, %broadcast_in_dim3A_625 : vector<128x1xf32>
    %le3A_627 = arith.constant 26 : i32
    %le3A_628 = vector.broadcast %le3A_627 : i32 to vector<128x32xi32>
    %le3A_629 = arith.cmpi sle, %iota3A, %le3A_628 : vector<128x32xi32>
    %jit3A_630 = arith.constant 0xFF800000 : f32
    %broadcast_in_dim3A_631 = vector.broadcast %jit3A_630 : f32 to vector<128x32xf32>
    %select_n3A_632 = arith.select %le3A_629, %neg3A_33, %broadcast_in_dim3A_631 : vector<128x32xi1>, vector<128x32xf32>
    %reduce_max3A_633 = arith.constant dense<0xFF800000> : vector<128xf32>
    %reduce_max3A_634 = vector.multi_reduction <maximumf>, %select_n3A_632, %reduce_max3A_633 [1] : vector<128x32xf32> to vector<128xf32>
    %broadcast_in_dim3A_635 = vector.shape_cast %reduce_max3A_634 : vector<128xf32> to vector<128x1xf32>
    %sub3A_636 = vector.broadcast %broadcast_in_dim3A_635 : vector<128x1xf32> to vector<128x32xf32>
    %sub3A_637 = arith.subf %neg3A_33, %sub3A_636 : vector<128x32xf32>
    %exp3A_638 = math.exp %sub3A_637 : vector<128x32xf32>
    %jit3A_639 = arith.constant 0.000000e+00 : f32
    %broadcast_in_dim3A_640 = vector.broadcast %jit3A_639 : f32 to vector<128x32xf32>
    %select_n3A_641 = arith.select %le3A_629, %exp3A_638, %broadcast_in_dim3A_640 : vector<128x32xi1>, vector<128x32xf32>
    %mul3A_642 = arith.mulf %select_n3A_641, %get3A_36 : vector<128x32xf32>
    %reduce_sum3A_643 = arith.constant dense<0.000000e+00> : vector<128xf32>
    %reduce_sum3A_644 = vector.multi_reduction <add>, %mul3A_642, %reduce_sum3A_643 [1] : vector<128x32xf32> to vector<128xf32>
    %broadcast_in_dim3A_645 = vector.shape_cast %reduce_sum3A_644 : vector<128xf32> to vector<128x1xf32>
    %reduce_sum3A_646 = arith.constant dense<0.000000e+00> : vector<128xf32>
    %reduce_sum3A_647 = vector.multi_reduction <add>, %select_n3A_641, %reduce_sum3A_646 [1] : vector<128x32xf32> to vector<128xf32>
    %broadcast_in_dim3A_648 = vector.shape_cast %reduce_sum3A_647 : vector<128xf32> to vector<128x1xf32>
    %div3A_649 = arith.divf %broadcast_in_dim3A_645, %broadcast_in_dim3A_648 : vector<128x1xf32>
    %le3A_650 = arith.constant 27 : i32
    %le3A_651 = vector.broadcast %le3A_650 : i32 to vector<128x32xi32>
    %le3A_652 = arith.cmpi sle, %iota3A, %le3A_651 : vector<128x32xi32>
    %jit3A_653 = arith.constant 0xFF800000 : f32
    %broadcast_in_dim3A_654 = vector.broadcast %jit3A_653 : f32 to vector<128x32xf32>
    %select_n3A_655 = arith.select %le3A_652, %neg3A_33, %broadcast_in_dim3A_654 : vector<128x32xi1>, vector<128x32xf32>
    %reduce_max3A_656 = arith.constant dense<0xFF800000> : vector<128xf32>
    %reduce_max3A_657 = vector.multi_reduction <maximumf>, %select_n3A_655, %reduce_max3A_656 [1] : vector<128x32xf32> to vector<128xf32>
    %broadcast_in_dim3A_658 = vector.shape_cast %reduce_max3A_657 : vector<128xf32> to vector<128x1xf32>
    %sub3A_659 = vector.broadcast %broadcast_in_dim3A_658 : vector<128x1xf32> to vector<128x32xf32>
    %sub3A_660 = arith.subf %neg3A_33, %sub3A_659 : vector<128x32xf32>
    %exp3A_661 = math.exp %sub3A_660 : vector<128x32xf32>
    %jit3A_662 = arith.constant 0.000000e+00 : f32
    %broadcast_in_dim3A_663 = vector.broadcast %jit3A_662 : f32 to vector<128x32xf32>
    %select_n3A_664 = arith.select %le3A_652, %exp3A_661, %broadcast_in_dim3A_663 : vector<128x32xi1>, vector<128x32xf32>
    %mul3A_665 = arith.mulf %select_n3A_664, %get3A_36 : vector<128x32xf32>
    %reduce_sum3A_666 = arith.constant dense<0.000000e+00> : vector<128xf32>
    %reduce_sum3A_667 = vector.multi_reduction <add>, %mul3A_665, %reduce_sum3A_666 [1] : vector<128x32xf32> to vector<128xf32>
    %broadcast_in_dim3A_668 = vector.shape_cast %reduce_sum3A_667 : vector<128xf32> to vector<128x1xf32>
    %reduce_sum3A_669 = arith.constant dense<0.000000e+00> : vector<128xf32>
    %reduce_sum3A_670 = vector.multi_reduction <add>, %select_n3A_664, %reduce_sum3A_669 [1] : vector<128x32xf32> to vector<128xf32>
    %broadcast_in_dim3A_671 = vector.shape_cast %reduce_sum3A_670 : vector<128xf32> to vector<128x1xf32>
    %div3A_672 = arith.divf %broadcast_in_dim3A_668, %broadcast_in_dim3A_671 : vector<128x1xf32>
    %le3A_673 = arith.constant 28 : i32
    %le3A_674 = vector.broadcast %le3A_673 : i32 to vector<128x32xi32>
    %le3A_675 = arith.cmpi sle, %iota3A, %le3A_674 : vector<128x32xi32>
    %jit3A_676 = arith.constant 0xFF800000 : f32
    %broadcast_in_dim3A_677 = vector.broadcast %jit3A_676 : f32 to vector<128x32xf32>
    %select_n3A_678 = arith.select %le3A_675, %neg3A_33, %broadcast_in_dim3A_677 : vector<128x32xi1>, vector<128x32xf32>
    %reduce_max3A_679 = arith.constant dense<0xFF800000> : vector<128xf32>
    %reduce_max3A_680 = vector.multi_reduction <maximumf>, %select_n3A_678, %reduce_max3A_679 [1] : vector<128x32xf32> to vector<128xf32>
    %broadcast_in_dim3A_681 = vector.shape_cast %reduce_max3A_680 : vector<128xf32> to vector<128x1xf32>
    %sub3A_682 = vector.broadcast %broadcast_in_dim3A_681 : vector<128x1xf32> to vector<128x32xf32>
    %sub3A_683 = arith.subf %neg3A_33, %sub3A_682 : vector<128x32xf32>
    %exp3A_684 = math.exp %sub3A_683 : vector<128x32xf32>
    %jit3A_685 = arith.constant 0.000000e+00 : f32
    %broadcast_in_dim3A_686 = vector.broadcast %jit3A_685 : f32 to vector<128x32xf32>
    %select_n3A_687 = arith.select %le3A_675, %exp3A_684, %broadcast_in_dim3A_686 : vector<128x32xi1>, vector<128x32xf32>
    %mul3A_688 = arith.mulf %select_n3A_687, %get3A_36 : vector<128x32xf32>
    %reduce_sum3A_689 = arith.constant dense<0.000000e+00> : vector<128xf32>
    %reduce_sum3A_690 = vector.multi_reduction <add>, %mul3A_688, %reduce_sum3A_689 [1] : vector<128x32xf32> to vector<128xf32>
    %broadcast_in_dim3A_691 = vector.shape_cast %reduce_sum3A_690 : vector<128xf32> to vector<128x1xf32>
    %reduce_sum3A_692 = arith.constant dense<0.000000e+00> : vector<128xf32>
    %reduce_sum3A_693 = vector.multi_reduction <add>, %select_n3A_687, %reduce_sum3A_692 [1] : vector<128x32xf32> to vector<128xf32>
    %broadcast_in_dim3A_694 = vector.shape_cast %reduce_sum3A_693 : vector<128xf32> to vector<128x1xf32>
    %div3A_695 = arith.divf %broadcast_in_dim3A_691, %broadcast_in_dim3A_694 : vector<128x1xf32>
    %le3A_696 = arith.constant 29 : i32
    %le3A_697 = vector.broadcast %le3A_696 : i32 to vector<128x32xi32>
    %le3A_698 = arith.cmpi sle, %iota3A, %le3A_697 : vector<128x32xi32>
    %jit3A_699 = arith.constant 0xFF800000 : f32
    %broadcast_in_dim3A_700 = vector.broadcast %jit3A_699 : f32 to vector<128x32xf32>
    %select_n3A_701 = arith.select %le3A_698, %neg3A_33, %broadcast_in_dim3A_700 : vector<128x32xi1>, vector<128x32xf32>
    %reduce_max3A_702 = arith.constant dense<0xFF800000> : vector<128xf32>
    %reduce_max3A_703 = vector.multi_reduction <maximumf>, %select_n3A_701, %reduce_max3A_702 [1] : vector<128x32xf32> to vector<128xf32>
    %broadcast_in_dim3A_704 = vector.shape_cast %reduce_max3A_703 : vector<128xf32> to vector<128x1xf32>
    %sub3A_705 = vector.broadcast %broadcast_in_dim3A_704 : vector<128x1xf32> to vector<128x32xf32>
    %sub3A_706 = arith.subf %neg3A_33, %sub3A_705 : vector<128x32xf32>
    %exp3A_707 = math.exp %sub3A_706 : vector<128x32xf32>
    %jit3A_708 = arith.constant 0.000000e+00 : f32
    %broadcast_in_dim3A_709 = vector.broadcast %jit3A_708 : f32 to vector<128x32xf32>
    %select_n3A_710 = arith.select %le3A_698, %exp3A_707, %broadcast_in_dim3A_709 : vector<128x32xi1>, vector<128x32xf32>
    %mul3A_711 = arith.mulf %select_n3A_710, %get3A_36 : vector<128x32xf32>
    %reduce_sum3A_712 = arith.constant dense<0.000000e+00> : vector<128xf32>
    %reduce_sum3A_713 = vector.multi_reduction <add>, %mul3A_711, %reduce_sum3A_712 [1] : vector<128x32xf32> to vector<128xf32>
    %broadcast_in_dim3A_714 = vector.shape_cast %reduce_sum3A_713 : vector<128xf32> to vector<128x1xf32>
    %reduce_sum3A_715 = arith.constant dense<0.000000e+00> : vector<128xf32>
    %reduce_sum3A_716 = vector.multi_reduction <add>, %select_n3A_710, %reduce_sum3A_715 [1] : vector<128x32xf32> to vector<128xf32>
    %broadcast_in_dim3A_717 = vector.shape_cast %reduce_sum3A_716 : vector<128xf32> to vector<128x1xf32>
    %div3A_718 = arith.divf %broadcast_in_dim3A_714, %broadcast_in_dim3A_717 : vector<128x1xf32>
    %le3A_719 = arith.constant 30 : i32
    %le3A_720 = vector.broadcast %le3A_719 : i32 to vector<128x32xi32>
    %le3A_721 = arith.cmpi sle, %iota3A, %le3A_720 : vector<128x32xi32>
    %jit3A_722 = arith.constant 0xFF800000 : f32
    %broadcast_in_dim3A_723 = vector.broadcast %jit3A_722 : f32 to vector<128x32xf32>
    %select_n3A_724 = arith.select %le3A_721, %neg3A_33, %broadcast_in_dim3A_723 : vector<128x32xi1>, vector<128x32xf32>
    %reduce_max3A_725 = arith.constant dense<0xFF800000> : vector<128xf32>
    %reduce_max3A_726 = vector.multi_reduction <maximumf>, %select_n3A_724, %reduce_max3A_725 [1] : vector<128x32xf32> to vector<128xf32>
    %broadcast_in_dim3A_727 = vector.shape_cast %reduce_max3A_726 : vector<128xf32> to vector<128x1xf32>
    %sub3A_728 = vector.broadcast %broadcast_in_dim3A_727 : vector<128x1xf32> to vector<128x32xf32>
    %sub3A_729 = arith.subf %neg3A_33, %sub3A_728 : vector<128x32xf32>
    %exp3A_730 = math.exp %sub3A_729 : vector<128x32xf32>
    %jit3A_731 = arith.constant 0.000000e+00 : f32
    %broadcast_in_dim3A_732 = vector.broadcast %jit3A_731 : f32 to vector<128x32xf32>
    %select_n3A_733 = arith.select %le3A_721, %exp3A_730, %broadcast_in_dim3A_732 : vector<128x32xi1>, vector<128x32xf32>
    %mul3A_734 = arith.mulf %select_n3A_733, %get3A_36 : vector<128x32xf32>
    %reduce_sum3A_735 = arith.constant dense<0.000000e+00> : vector<128xf32>
    %reduce_sum3A_736 = vector.multi_reduction <add>, %mul3A_734, %reduce_sum3A_735 [1] : vector<128x32xf32> to vector<128xf32>
    %broadcast_in_dim3A_737 = vector.shape_cast %reduce_sum3A_736 : vector<128xf32> to vector<128x1xf32>
    %reduce_sum3A_738 = arith.constant dense<0.000000e+00> : vector<128xf32>
    %reduce_sum3A_739 = vector.multi_reduction <add>, %select_n3A_733, %reduce_sum3A_738 [1] : vector<128x32xf32> to vector<128xf32>
    %broadcast_in_dim3A_740 = vector.shape_cast %reduce_sum3A_739 : vector<128xf32> to vector<128x1xf32>
    %div3A_741 = arith.divf %broadcast_in_dim3A_737, %broadcast_in_dim3A_740 : vector<128x1xf32>
    %le3A_742 = arith.constant 31 : i32
    %le3A_743 = vector.broadcast %le3A_742 : i32 to vector<128x32xi32>
    %le3A_744 = arith.cmpi sle, %iota3A, %le3A_743 : vector<128x32xi32>
    %jit3A_745 = arith.constant 0xFF800000 : f32
    %broadcast_in_dim3A_746 = vector.broadcast %jit3A_745 : f32 to vector<128x32xf32>
    %select_n3A_747 = arith.select %le3A_744, %neg3A_33, %broadcast_in_dim3A_746 : vector<128x32xi1>, vector<128x32xf32>
    %reduce_max3A_748 = arith.constant dense<0xFF800000> : vector<128xf32>
    %reduce_max3A_749 = vector.multi_reduction <maximumf>, %select_n3A_747, %reduce_max3A_748 [1] : vector<128x32xf32> to vector<128xf32>
    %broadcast_in_dim3A_750 = vector.shape_cast %reduce_max3A_749 : vector<128xf32> to vector<128x1xf32>
    %sub3A_751 = vector.broadcast %broadcast_in_dim3A_750 : vector<128x1xf32> to vector<128x32xf32>
    %sub3A_752 = arith.subf %neg3A_33, %sub3A_751 : vector<128x32xf32>
    %exp3A_753 = math.exp %sub3A_752 : vector<128x32xf32>
    %jit3A_754 = arith.constant 0.000000e+00 : f32
    %broadcast_in_dim3A_755 = vector.broadcast %jit3A_754 : f32 to vector<128x32xf32>
    %select_n3A_756 = arith.select %le3A_744, %exp3A_753, %broadcast_in_dim3A_755 : vector<128x32xi1>, vector<128x32xf32>
    %mul3A_757 = arith.mulf %select_n3A_756, %get3A_36 : vector<128x32xf32>
    %reduce_sum3A_758 = arith.constant dense<0.000000e+00> : vector<128xf32>
    %reduce_sum3A_759 = vector.multi_reduction <add>, %mul3A_757, %reduce_sum3A_758 [1] : vector<128x32xf32> to vector<128xf32>
    %broadcast_in_dim3A_760 = vector.shape_cast %reduce_sum3A_759 : vector<128xf32> to vector<128x1xf32>
    %reduce_sum3A_761 = arith.constant dense<0.000000e+00> : vector<128xf32>
    %reduce_sum3A_762 = vector.multi_reduction <add>, %select_n3A_756, %reduce_sum3A_761 [1] : vector<128x32xf32> to vector<128xf32>
    %broadcast_in_dim3A_763 = vector.shape_cast %reduce_sum3A_762 : vector<128xf32> to vector<128x1xf32>
    %div3A_764 = arith.divf %broadcast_in_dim3A_760, %broadcast_in_dim3A_763 : vector<128x1xf32>
    %concatenate3A = tpu.concatenate %div3A, %div3A_74, %div3A_97, %div3A_120, %div3A_143, %div3A_166, %div3A_189, %div3A_212, %div3A_235, %div3A_258, %div3A_281, %div3A_304, %div3A_327, %div3A_350, %div3A_373, %div3A_396, %div3A_419, %div3A_442, %div3A_465, %div3A_488, %div3A_511, %div3A_534, %div3A_557, %div3A_580, %div3A_603, %div3A_626, %div3A_649, %div3A_672, %div3A_695, %div3A_718, %div3A_741, %div3A_764 in 1 : vector<128x1xf32>, vector<128x1xf32>, vector<128x1xf32>, vector<128x1xf32>, vector<128x1xf32>, vector<128x1xf32>, vector<128x1xf32>, vector<128x1xf32>, vector<128x1xf32>, vector<128x1xf32>, vector<128x1xf32>, vector<128x1xf32>, vector<128x1xf32>, vector<128x1xf32>, vector<128x1xf32>, vector<128x1xf32>, vector<128x1xf32>, vector<128x1xf32>, vector<128x1xf32>, vector<128x1xf32>, vector<128x1xf32>, vector<128x1xf32>, vector<128x1xf32>, vector<128x1xf32>, vector<128x1xf32>, vector<128x1xf32>, vector<128x1xf32>, vector<128x1xf32>, vector<128x1xf32>, vector<128x1xf32>, vector<128x1xf32>, vector<128x1xf32> -> vector<128x32xf32>
    %swap3A_765 = arith.constant 0 : index
    %swap3A_766 = arith.constant 0 : index
    %swap3A_767 = vector.load %arg7[%swap3A_765, %swap3A_766] : memref<128x32xf32, #tpu.memory_space<vmem>>, vector<128x32xf32>
    tpu.vector_store %arg7[%swap3A_765, %swap3A_766], %concatenate3A {strides = array<i32>} : memref<128x32xf32, #tpu.memory_space<vmem>>, vector<128x32xf32>,
    return
  }
  func.func @transform_0(%arg0: i32) -> (i32, i32) {
    %c0_i32 = arith.constant 0 : i32
    %c0_i32_0 = arith.constant 0 : i32
    return %arg0, %c0_i32 : i32, i32
  }
  func.func @transform_1(%arg0: i32) -> (i32, i32) {
    %c0_i32 = arith.constant 0 : i32
    %c0_i32_0 = arith.constant 0 : i32
    return %arg0, %c0_i32 : i32, i32
  }
  func.func @transform_2(%arg0: i32) -> (i32, i32) {
    %c0_i32 = arith.constant 0 : i32
    %c0_i32_0 = arith.constant 0 : i32
    return %arg0, %c0_i32 : i32, i32
  }
  func.func @transform_3(%arg0: i32) -> (i32, i32) {
    %c0_i32 = arith.constant 0 : i32
    %c0_i32_0 = arith.constant 0 : i32
    return %arg0, %c0_i32 : i32, i32
  }
  func.func @transform_4(%arg0: i32) -> (i32, i32) {
    %c0_i32 = arith.constant 0 : i32
    %c0_i32_0 = arith.constant 0 : i32
    %c0_i32_1 = arith.constant 0 : i32
    return %c0_i32, %c0_i32_0 : i32, i32
  }
  func.func @transform_5(%arg0: i32) -> (i32, i32) {
    %c0_i32 = arith.constant 0 : i32
    %c0_i32_0 = arith.constant 0 : i32
    return %arg0, %c0_i32 : i32, i32
  }
  func.func @transform_6(%arg0: i32) -> (i32, i32) {
    %c0_i32 = arith.constant 0 : i32
    %c0_i32_0 = arith.constant 0 : i32
    return %arg0, %c0_i32 : i32, i32
  }
}

</mosaic_0001>

<sc_bundles>
// kernel: kernel.5.cloned.1.call-start
scs
__scs_entry_jumppad:
0x0: {  	(pc) =	sbr.rel $0x88, $3  }
0x1: {  	(tag) =	ssettag $0x0;
	lr =	simm.s32 $0x1  }
0x2: {  	[smem:$0x3F9A] =	sst lr;
	_ =	strace $0xD0000000  }
0x3: {  	_ = 	snop  }
0x4: {  	_ = 	snop  }
0x5: {  	_ = 	snop  }
0x6: {  	_ = 	snop  }
0x7: {  	_ = 	snop  }
__scs_overlays_trampoline_lowered:
0x8: {  	[smem:$0x3FA9] =	sst s0  }
0x9: {  	[smem:$0x3FAA] =	sst s1  }
0xa: {  	[smem:$0x3FAB] =	sst s2  }
0xb: {  	[smem:$0x3FAC] =	sst s3  }
0xc: {  	[smem:$0x3FAD] =	sst s4  }
0xd: {  	[smem:$0x3FAE] =	sst s5  }
0xe: {  	[smem:$0x3FAF] =	sst s6  }
0xf: {  	[smem:$0x3FB0] =	sst s7  }
0x10: {  	[smem:$0x3FB1] =	sst s8  }
0x11: {  	[smem:$0x3FB2] =	sst s9;
	s0 =	simm.s32 @!p0 $0x0  }
0x12: {  	s1 =	sld [smem:$0x3F98];
	s0 =	simm.s32 @p0 $0x1  }
0x13: {  	[smem:$0x3FB3] =	sst s0;
	s0 =	simm.s32 @!p1 $0x0  }
0x14: {  	s2 =	sld [smem:$0x3F97];
	s0 =	simm.s32 @p1 $0x1  }
0x15: {  	[smem:$0x3FB4] =	sst s0;
	s0 =	simm.s32 @!p2 $0x0  }
0x16: {  	s3 =	sld [smem:$0x3FDB];
	s0 =	simm.s32 @p2 $0x1  }
0x17: {  	s4 =	simm.s32 $0x1BF5;
	[smem:$0x3FB6] =	sst s0  }
0x18: {  	s0 =	sld [smem:$0x3F99];
	_ =	swait.ge [sflag:s4], $0x0  }
0x19: {  	s7 =	sld [smem:$0x3F9A]  }
0x1a: {  	s8 =	sadd.s32 $0xFFFFE003, lr  }
0x1b: {  	s9 =	sadd.s32 $0xFFFFFEF7, lr;
	s5 =	simm.s32 $0xFFFFFFFF;
	p2 =	slt.u32 s8, $0xFFFFF086  }
0x1c: {  	p1 =	slt.u32 s9, $0xF7A;
	s5 =	simm.s32 @!p2 $0x0  }
0x1d: {  	s5 =	simm.s32 @p1 $0x1;
	p0 =	seq.s32 s7, s2  }
0x1e: {  	s7 =	smul.u32 @!p0 $0xF7A, s2;
	p2 =	seq.s32 @!p0 s5, $0x0  }
0x1f: {  	s9 =	smul.u32 $0xF7A, s1;
	s8 =	simm.s32 @!p0 $0x1BF5;
	p2 =	por !p2, p0  }
0x20: {  	[sflag:s8] =	ssyncset.s32 @!p0 $0xFFFFF086;
	s6 =	sadd.s32 @!p0 s3, s7;
	s7 =	simm.s32 @!p0 $0x108  }
0x21: {  	s3 =	sadd.s32 s3, s9;
	s6 =	sadd.s32 @!p0 $0x88, s6;
	s7 =	simm.s32 @p2 $0x1082  }
0x22: {  	[simem:s7], [sflag:s8] =	dma.local @!p0 [hbm:s6], $0xF7A  }
0x23: {  	s9 =	sor.u32 $0xD0000000, s2;
	s6 =	simm.s32 $0x108;
	_ =	swait.ge @!p0 [sflag:s8], $0x0  }
0x24: {  	s3 =	sadd.s32 $0x88, s3;
	s6 =	simm.s32 @!p1 $0x1082;
	[sflag:s4] =	ssyncset.s32 $0xFFFFF086  }
0x25: {  	[simem:s6], [sflag:s4] =	dma.local [hbm:s3], $0xF7A  }
0x26: {  	[smem:$0x3F9A] =	sst s1;
	(tag) =	ssettag s2;
	_ =	strace s9  }
0x27: {  	s1 =	sld [smem:$0x3FAA]  }
0x28: {  	s2 =	sld [smem:$0x3FAB]  }
0x29: {  	s4 =	sld [smem:$0x3FAD]  }
0x2a: {  	p0 =	seq.s32 s5, $0x0;
	s5 =	sld [smem:$0x3FAE]  }
0x2b: {  	s6 =	sld [smem:$0x3FAF]  }
0x2c: {  	s7 =	sld [smem:$0x3FB0]  }
0x2d: {  	s3 =	simm.s32 $0x108;
	s8 =	sld [smem:$0x3FB1]  }
0x2e: {  	s3 =	simm.s32 @!p0 $0x1082;
	s9 =	sld [smem:$0x3FB2]  }
0x2f: {  	lr =	sadd.s32 s0, s3;
	s0 =	sld [smem:$0x3FA9]  }
0x30: {  	s3 =	sld [smem:$0x3FAC]  }
0x31: {  	[smem:$0x3FB5] =	sst s10  }
0x32: {  	s10 =	sld [smem:$0x3FB3];
	_ =	sdelay $0x3  }
0x33: {  	p0 =	seq.s32 s10, $0x1;
	s10 =	sld [smem:$0x3FB5];
	_ =	sdelay $0x3  }
0x34: {  	[smem:$0x3FB5] =	sst s10  }
0x35: {  	s10 =	sld [smem:$0x3FB4];
	_ =	sdelay $0x3  }
0x36: {  	p1 =	seq.s32 s10, $0x1;
	s10 =	sld [smem:$0x3FB5];
	_ =	sdelay $0x3  }
0x37: {  	[smem:$0x3FB5] =	sst s10  }
0x38: {  	s10 =	sld [smem:$0x3FB6]  }
0x39: {  	_ = 	snop;
	(pc) =	sbr.ind lr, $3  }
0x3a: {  	_ = 	snop  }
0x3b: {  	_ = 	snop  }
0x3c: {  	p2 =	seq.s32 s10, $0x1;
	s10 =	sld [smem:$0x3FB5]  }
0x3d: {  	_ =	shalt  }
0x3e: {  	_ =	shalt  }
0x3f: {  	_ =	shalt  }
0x40: {  	_ =	shalt  }
0x41: {  	_ =	shalt  }
0x42: {  	_ =	shalt  }
0x43: {  	_ =	shalt  }
0x44: {  	_ =	shalt  }
0x45: {  	_ =	shalt  }
0x46: {  	_ =	shalt  }
0x47: {  	_ =	shalt  }
0x48: {  	_ =	shalt  }
0x49: {  	_ =	shalt  }
0x4a: {  	_ =	shalt  }
0x4b: {  	_ =	shalt  }
0x4c: {  	_ =	shalt  }
0x4d: {  	_ =	shalt  }
0x4e: {  	_ =	shalt  }
0x4f: {  	_ =	shalt  }
0x50: {  	_ =	shalt  }
0x51: {  	_ =	shalt  }
0x52: {  	_ =	shalt  }
0x53: {  	_ =	shalt  }
0x54: {  	_ =	shalt  }
0x55: {  	_ =	shalt  }
0x56: {  	_ =	shalt  }
0x57: {  	_ =	shalt  }
0x58: {  	_ =	shalt  }
0x59: {  	_ =	shalt  }
0x5a: {  	_ =	shalt  }
0x5b: {  	_ =	shalt  }
0x5c: {  	_ =	shalt  }
0x5d: {  	_ =	shalt  }
0x5e: {  	_ =	shalt  }
0x5f: {  	_ =	shalt  }
0x60: {  	_ =	shalt  }
0x61: {  	_ =	shalt  }
0x62: {  	_ =	shalt  }
0x63: {  	_ =	shalt  }
0x64: {  	_ =	shalt  }
0x65: {  	_ =	shalt  }
0x66: {  	_ =	shalt  }
0x67: {  	_ =	shalt  }
0x68: {  	_ =	shalt  }
0x69: {  	_ =	shalt  }
0x6a: {  	_ =	shalt  }
0x6b: {  	_ =	shalt  }
0x6c: {  	_ =	shalt  }
0x6d: {  	_ =	shalt  }
0x6e: {  	_ =	shalt  }
0x6f: {  	_ =	shalt  }
0x70: {  	_ =	shalt  }
0x71: {  	_ =	shalt  }
0x72: {  	_ =	shalt  }
0x73: {  	_ =	shalt  }
0x74: {  	_ =	shalt  }
0x75: {  	_ =	shalt  }
0x76: {  	_ =	shalt  }
0x77: {  	_ =	shalt  }
0x78: {  	_ =	shalt  }
0x79: {  	_ =	shalt  }
0x7a: {  	_ =	shalt  }
0x7b: {  	_ =	shalt  }
0x7c: {  	_ =	shalt  }
0x7d: {  	_ =	shalt  }
0x7e: {  	_ =	shalt  }
0x7f: {  	_ =	shalt  }
0x80: {  	_ =	shalt  }
0x81: {  	_ =	shalt  }
0x82: {  	_ =	shalt  }
0x83: {  	_ =	shalt  }
0x84: {  	_ =	shalt  }
0x85: {  	_ =	shalt  }
0x86: {  	_ =	shalt  }
0x87: {  	_ =	shalt  }
.Lfunc_end0:
.L_simem_size_0:
called_computation_lowered:
.L_overlay_start_0:
0x88: {  	s2 =	sld [smem:$0x3FD9]  }
0x89: {  	s3 =	sld [smem:$0x3FFE];
	_ =	sdelay $0x1  }
0x8a: {  	s1 =	srdreg.scid  }
0x8b: {  	s0 =	sand.u32 $0x1, s1  }
0x8c: {  	s14 =	sshll.u32 s0, $0xA;
	s2 =	sadd.s32 s3, s2  }
0x8d: {  	s2 =	sadd.s32 s2, s14  }
0x8e: {  	[smem:$0x3FC1] =	sst s2  }
0x8f: {  	_ = 	snop  }
0x90: {  	s2 =	sld [smem:$0x3FD0];
	_ =	sdelay $0x2  }
0x91: {  	s15 =	simm.s32 $0xA;
	s4 =	simm.s32 $0x10  }
0x92: {  	[smem:s4], [sflag:s15] =	dma.local [hbm:s2], $0x1  }
0x93: {  	_ =	swait.eq [sflag:s15], $0x1  }
0x94: {  	[sflag:s15] =	ssyncset.done $0x0  }
0x95: {  	[sflag:s15] =	ssyncadd.s32 $0xFFFFFFFF  }
0x96: {  	s16 =	sld [smem:$0x11];
	(tm) =	ssettm $0x1  }
0x97: {  	s17 =	sld [smem:$0x3FFB];
	_ =	sdelay $0x3  }
0x98: {  	_ =	strace s17  }
0x99: {  	s3 =	sld [smem:$0x3FFC];
	_ =	sdelay $0x3  }
0x9a: {  	_ =	strace s3  }
0x9b: {  	s3 =	sld [smem:$0x3FFD];
	_ =	sdelay $0x3  }
0x9c: {  	_ =	strace s3  }
0x9d: {  	_ =	strace $0x8FFFFFFF  }
0x9e: {  	s18 =	sld [smem:$0x3FDB];
	_ =	sdelay $0x1  }
0x9f: {  	s19 =	simm.s32 $_scs_section_size  }
0xa0: {  	s5 =	simm.s32 $_size__tile_overlayer_lowered;
	s6 =	simm.s32 $_tile_overlayer_lowered  }
0xa1: {  	s22 =	simm.s32 $0x1BFF;
	s21 =	sshll.u32 s6, $0x1;
	s3 =	sadd.s32 s19, s18  }
0xa2: {  	s7 =	simm.s32 $0x0;
	s20 =	sshll.u32 s5, $0x1;
	s5 =	sadd.s32 s21, s3  }
0xa3: {  	[timem:s7], [sflag:s22] =	dma.local [hbm:s5], s20  }
0xa4: {  	_ =	swait.ge [sflag:s22], s20  }
0xa5: {  	s4 =	ssub.s32 $0x0, s20;
	[sflag:s22] =	ssyncset.done $0x0  }
0xa6: {  	[sflag:s22] =	ssyncadd.s32 s4;
	_ =	sdelay $0x1  }
0xa7: {  	s23 =	simm.s32 $0x1B8B  }
0xa8: {  	_ =	swait.ge [sflag:s23], $0x1  }
0xa9: {  	[sflag:s23] =	ssyncset.done $0x0  }
0xaa: {  	s25 =	simm.s32 $0x1B8E;
	s24 =	sld [smem:$0x3FFE];
	[sflag:s23] =	ssyncadd.s32 $0xFFFFFFFF  }
0xab: {  	s26 =	simm.s32 $execute0_lowered;
	[smem:$0x3FD2] =	sst s25  }
0xac: {  	s5 =	sshll.u32 s26, $0x1;
	_ =	strace $0x80000046;
	[dreg:$0x1] =	wrdreg $0xFFFFFFFF  }
0xad: {  	s28 =	simm.s32 $_size_execute0_lowered;
	s3 =	sadd.s32 s3, s5;
	[dreg:$0x0] =	wrdreg $0x0  }
0xae: {  	s5 =	sshll.u32 s28, $0x1;
	[dreg:$0x2] =	wrdreg s3  }
0xaf: {  	[dreg:$0x3] =	wrdreg s5  }
0xb0: {  	[dreg:$0x4] =	wrdreg $0xC0  }
0xb1: {  	_ =	task [dreg:s7], $0x5FFFF  }
0xb2: {  	[dreg:$0x1] =	wrdreg $0xFFFFFFFF  }
0xb3: {  	[dreg:$0x0] =	wrdreg $0x60  }
0xb4: {  	[dreg:$0x2] =	wrdreg s24  }
0xb5: {  	[dreg:$0x3] =	wrdreg s16  }
0xb6: {  	[dreg:$0x4] =	wrdreg $0x9  }
0xb7: {  	_ =	task.clear_ibuf [dreg:s7], $0x5FFFF;
	_ =	strace $0x90000046  }
0xb8: {  	s29 =	simm.s32 $0x9;
	_ =	strace $0x80000048  }
0xb9: {  	_ =	swait.ge [sflag:s29], $0x1  }
0xba: {  	[sflag:s29] =	ssyncadd.s32 $0xFFFFFFFF  }
0xbb: {  	_ =	strace $0x90000048  }
0xbc: {  	_ =	sfence  }
0xbd: {  	s30 =	sld [smem:$0x0];
	_ =	sdelay $0x2  }
0xbe: {  	s31 =	sshll.u32 s1, $0xD;
	s1 =	sshrl.u32 s1, $0x2  }
0xbf: {  	s3 =	sand.u32 $0x4000, s31;
	s1 =	sadd.s32 s1, s30  }
0xc0: {  	s0 =	sor.u32 s3, s0;
	s1 =	sshll.u32 s1, $0x11  }
0xc1: {  	s0 =	sor.u32 s1, s0  }
0xc2: {  	s0 =	sadd.s32 $0x8F2B, s0  }
0xc3: {  	[sflag:s0] =	ssyncadd.remote.s32 $0x1  }
0xc4: {  	_ =	sfence.sel $0xFFFF  }
0xc5: {  	[dreg:$0x0] =	wrdreg $0xFFFFFFFF;
	(pc) =	sbr.abs _section_cstart, $3  }
0xc6: {  	[dreg:$0x1] =	wrdreg $0xFFFFFFFF  }
0xc7: {  	_ =	task.clear_ibuf [dreg:s7], $0x2FFFF;
	_ =	strace $0x9FFFFFFF  }
0xc8: {  	(tm) =	ssettm $0x7FFFFFFF  }
0xc9: {  	_ =	shalt  }
tec
execute0_lowered:
.L_overlay_start_1:
0x0: {  	(tag) =	ssettag $0x1  }
0x1: {  	s4 =	rddreg [dreg:$0x0]  }
0x2: {  	s3 =	rddreg [dreg:$0x1]  }
0x3: {  	s2 =	srdreg.scid;
	s0 =	rddreg [dreg:$0x2];
	s1 =	simm.s32 $0x0  }
0x4: {  	s9 =	simm.s32 $0x80;
	s10 =	simm.s32 $0x100;
	s11 =	simm.s32 $0x18F00  }
0x5: {  	s12 =	simm.s32 $0x0;
	s5 =	sand.u32 $0x1, s2;
	[smem:$0x7FF] =	sst s1  }
0x6: {  	s2 =	stileid.u32;
	s6 =	ssub.s32 $0x2, s5;
	_ =	strace $0x80000047  }
0x7: {  	s31 =	sshll.u32 s2, $0x8;
	s5 =	sshll.u32 s5, $0x4;
	s8 =	sshll.u32 s2, $0x9  }
0x8: {  	s7 =	sshrl.u32 s6, $0x1;
	s3 =	sadd.s32 s3, s31;
	s5 =	sadd.s32 s4, s5  }
0x9: {  	s6 =	ssub.s32 s6, s7;
	s4 =	sadd.s32 $0xE400, s5;
	s5 =	sadd.s32 s8, s5  }
0xa: {  	s7 =	simm.s32 $0x18700;
	s8 =	simm.s32 $0x1;
	s6 =	smax.u32 s6, $0x1  }
.LBB2_1:
0xb: {  	[tilespmem:s7], [sflag:$0x1] =	stream.linear.gather [hbm4b:s3+s1], $0x800, $0x38;
	[tilespmem:$0x19700] =	vst v63  }
0xc: {  	_ =	swait.ge [sflag:s8], $0x800  }
0xd: {  	[sflag:s8] =	ssyncset.done $0x0  }
0xe: {  	[sflag:s8] =	ssyncadd.s32 $0xFFFFF800  }
0xf: {  	[tilespmem:s1], [sflag:$0x1] =	stream.strided.gather [hbm4b:s4+s9], $0x18700, s10, s9, $0x38;
	[tilespmem:$0x19700] =	vst v63  }
0x10: {  	_ =	swait.ge [sflag:s8], $0x18700  }
0x11: {  	[sflag:s8] =	ssyncset.done $0x0  }
0x12: {  	s13 =	simm.s32 $0x0;
	[sflag:s8] =	ssyncadd.s32 $0xFFFE7900  }
0x13: {  	v0 =	vld [tilespmem:s13+$0x18700];
	_ =	sdelay $0x7  }
0x14: {  	s14 =	simm.s32 $0x10;
	s15 =	simm.s32 $0x80;
	v0 =	vld.idx.msk [tilespmem:v0+s1+$0x0], $0xffff  }
.LBB2_2:
0x15: {  	p0 =	sne.s32 s15, $0x1FC0;
	v1 =	vld [tilespmem:s14+$0x18700];
	_ =	sdelay $0x3  }
.Ltmp0:
0x16: {  	(pc) =	sbr.rel @p0 .LBB2_2-.Ltmp0, $2  }
0x17: {  	[tilespmem:s13+$0x18F00] =	vst v0;
	s13 =	smov.u32 s14;
	_ =	sdelay $0x2  }
0x18: {  	s14 =	sshra.s32 s15, $0x2;
	s15 =	sadd.s32 $0x40, s15;
	v0 =	vld.idx.msk [tilespmem:v1+s1+$0x0], $0xffff  }
0x19: {  	v1 =	vld [tilespmem:s14+$0x18700];
	_ =	sdelay $0x6  }
0x1a: {  	[tilespmem:s13+$0x18F00] =	vst v0  }
0x1b: {  	v0 =	vld.idx.msk [tilespmem:v1+s1+$0x0], $0xffff;
	_ =	sdelay $0x2  }
0x1c: {  	s12 =	sadd.s32 $0x1, s12  }
0x1d: {  	p0 =	sne.s32 s12, s6  }
.Ltmp1:
0x1e: {  	[tilespmem:s14+$0x18F00] =	vst v0;
	(pc) =	sbr.rel @p0 .LBB2_1-.Ltmp1, $4  }
0x1f: {  	[hbm4b:s5+s9] =	stream.strided.scatter [tilespmem:s11], [sflag:$0x1], $0x800, s10, s9, $0x38;
	[tilespmem:$0x19700] =	vst v63  }
0x20: {  	_ =	swait.ge [sflag:s8], $0x800  }
0x21: {  	[sflag:s8] =	ssyncset.done $0x0  }
0x22: {  	[sflag:s8] =	ssyncadd.s32 $0xFFFFF800  }
0x23: {  	_ =	sfence.sel $0x180000  }
0x24: {  	[bflag:$0x0] =	sbarrier.arrive $0xFFFF  }
0x25: {  	p0 =	sne.s32 s2, $0x0;
	_ =	strace $0x90000047  }
0x26: {  	s0 =	sadd.s32 @!p0 $0x100000, s0;
	[bflag:$0x2] =	sbarrier.arrive $0xFFFF  }
0x27: {  	[sflag:s0] =	ssyncadd.tile.s32 @!p0 $0x1;
	_ =	shalt  }
.Lfunc_end2:
_tile_overlayer_lowered:
.L_overlay_start_2:
0x28: {  	(tag) =	ssettag $0x2  }
0x29: {  	s0 =	rddreg [dreg:$0x0];
	s2 =	stileid.u32  }
0x2a: {  	s1 =	rddreg [dreg:$0x1];
	p0 =	sne.s32 s2, $0x0  }
0x2b: {  	s3 =	rddreg [dreg:$0x2];
	[bflag:$0x3] =	sbarrier.arrive $0xFFFF;
	s2 =	simm.s32 @!p0 $0x1C01  }
0x2c: {  	[timem:s3], [sflag:s2] =	dma.local @!p0 [hbm:s0], s1  }
0x2d: {  	s0 =	simm.s32 @!p0 $0x1  }
0x2e: {  	_ =	swait.ge @!p0 [sflag:s0], s1  }
0x2f: {  	s1 =	ssub.s32 @!p0 $0x0, s1;
	[sflag:s0] =	ssyncset.done @!p0 $0x0  }
0x30: {  	[sflag:s0] =	ssyncadd.s32 @!p0 s1  }
0x31: {  	[bflag:$0x3] =	sbarrier.arrive $0xFFFF  }
0x32: {  	_ =	shalt  }

</sc_bundles>
